<compile_context>
chip_gen: v7x
topology: tpu7x:2x2x1
jax: 0.10.2.dev20260603
libtpu: 0.0.44.dev20260713+nightly
codegen_flags: <defaults>
</compile_context>

<pallas_src>
import functools

import jax
import jax.numpy as jnp
from jax import lax
from jax.experimental import pallas as pl
from jax.experimental.pallas import tpu as pltpu
from jax.experimental.pallas import tpu_sc as plsc

_E = 8
_K = 2
_D = 1024
_FF = 4096
_T = 2048

_BR = 512
_NP = _T * _K
_P = _NP + _E * _BR
_NBLK = _P // _BR
_F = 1024
_NF = _FF // _F

_NC = 2
_NS = 16
_NW = _NC * _NS
_CHUNK = 64
_NCHUNK = _NP // (_NW * _CHUNK)


def _cumsum_rows(a):
    n = 1
    while n < a.shape[0]:
        shifted = jnp.concatenate(
            [jnp.zeros((n, a.shape[1]), a.dtype), a[:-n]], axis=0)
        a = a + shifted
        n *= 2
    return a


def _cumsum_lanes(a):
    for n in (1, 2, 4):
        shifted = jnp.concatenate(
            [jnp.zeros((a.shape[0], n), a.dtype), a[:, :-n]], axis=1)
        a = a + shifted
    return a


def _router_body(x_ref, gw_ref, pos_ref, wt_ref, be_ref, valid_ref):
    x = x_ref[...]
    gw = gw_ref[...]
    logits = lax.dot_general(x, gw, (((1,), (1,)), ((), ())),
                             preferred_element_type=jnp.float32)
    m = jnp.max(logits, axis=1, keepdims=True)
    e = jnp.exp(logits - m)
    p = e / jnp.sum(e, axis=1, keepdims=True)
    iota = lax.broadcasted_iota(jnp.int32, p.shape, 1)
    v0 = jnp.max(p, axis=1, keepdims=True)
    i0 = jnp.min(jnp.where(p == v0, iota, _E), axis=1, keepdims=True)
    p2 = jnp.where(iota == i0, -jnp.inf, p)
    v1 = jnp.max(p2, axis=1, keepdims=True)
    i1 = jnp.min(jnp.where(p2 == v1, iota, _E), axis=1, keepdims=True)
    s = v0 + v1
    wt_ref[...] = jnp.concatenate([v0 / s, v1 / s], axis=1)

    oh = jnp.concatenate([(iota == i0).astype(jnp.int32),
                          (iota == i1).astype(jnp.int32)], axis=0)
    csum = _cumsum_rows(oh)
    rank = jnp.sum((csum - oh) * oh, axis=1, keepdims=True)
    counts = csum[_NP - 1:_NP, :]
    padded = ((counts + (_BR - 1)) // _BR) * _BR
    cpad = _cumsum_lanes(padded)
    poff = cpad - padded
    pos_ref[...] = jnp.sum(poff * oh, axis=1, keepdims=True) + rank

    bs = lax.broadcasted_iota(jnp.int32, (_NBLK, _E), 0) * _BR
    ge = (bs >= cpad).astype(jnp.int32)
    be_ref[...] = jnp.minimum(jnp.sum(ge, axis=1, keepdims=True), _E - 1)
    valid_ref[...] = (bs[:, 0:1] < cpad[0, _E - 1]).astype(jnp.int32)


def _moe_body(be_ref, valid_ref, xs_ref, w1_ref, w3_ref, w2_ref,
              out_ref, acc_ref):
    del be_ref
    f = pl.program_id(0)
    b = pl.program_id(1)

    @pl.when(valid_ref[b] == 1)
    def _():
        slab = pl.ds(b * _BR, _BR)
        xb = xs_ref[...]
        a = lax.dot_general(xb, w1_ref[0], (((1,), (1,)), ((), ())),
                            preferred_element_type=jnp.float32)
        b3 = lax.dot_general(xb, w3_ref[0], (((1,), (1,)), ((), ())),
                             preferred_element_type=jnp.float32)
        h = (a * jax.nn.sigmoid(a)) * b3
        partial = lax.dot_general(h, w2_ref[0], (((1,), (1,)), ((), ())),
                                  preferred_element_type=jnp.float32)

        @pl.when(f == 0)
        def _():
            acc_ref[slab, :] = partial.astype(jnp.bfloat16)

        @pl.when((f > 0) & (f < _NF - 1))
        def _():
            acc_ref[slab, :] = (acc_ref[slab, :].astype(jnp.float32)
                                + partial).astype(jnp.bfloat16)

        @pl.when(f == _NF - 1)
        def _():
            out_ref[...] = acc_ref[slab, :].astype(jnp.float32) + partial


@functools.lru_cache(maxsize=1)
def _get_sc_scatter():
    mesh = plsc.VectorSubcoreMesh(core_axis_name="c", subcore_axis_name="s")

    @functools.partial(
        pl.kernel,
        mesh=mesh,
        out_type=jax.ShapeDtypeStruct((_P, _D), jnp.float32),
        scratch_types=[
            pltpu.VMEM((_CHUNK,), jnp.int32),
            pltpu.VMEM((_CHUNK, _D), jnp.float32),
            pltpu.SemaphoreType.DMA,
        ],
    )
    def _sc_scatter(x_hbm, pos_hbm, xs_hbm, idx_v, rows_v, sem):
        wid = lax.axis_index("s") * _NC + lax.axis_index("c")
        for c in range(_NCHUNK):
            base = wid * (_NCHUNK * _CHUNK) + c * _CHUNK
            src = lax.rem(base, _T)
            pltpu.sync_copy(pos_hbm.at[pl.ds(base, _CHUNK)], idx_v)
            pltpu.sync_copy(x_hbm.at[pl.ds(src, _CHUNK)], rows_v)
            pltpu.async_copy(rows_v, xs_hbm.at[idx_v], sem).wait()

    return _sc_scatter


def kernel(hidden_states, gate_w, w1, w3, w2):
    pos, wt, be, valid = pl.pallas_call(
        _router_body,
        out_shape=[
            jax.ShapeDtypeStruct((_NP, 1), jnp.int32),
            jax.ShapeDtypeStruct((_T, _K), jnp.float32),
            jax.ShapeDtypeStruct((_NBLK, 1), jnp.int32),
            jax.ShapeDtypeStruct((_NBLK, 1), jnp.int32),
        ],
    )(hidden_states, gate_w)
    pos = pos[:, 0]

    xs = _get_sc_scatter()(hidden_states, pos)

    grid_spec = pltpu.PrefetchScalarGridSpec(
        num_scalar_prefetch=2,
        grid=(_NF, _NBLK),
        in_specs=[
            pl.BlockSpec((_BR, _D),
                         lambda f, b, be, v: (jnp.where(v[b] == 1, b, 0), 0)),
            pl.BlockSpec((1, _F, _D), lambda f, b, be, v: (be[b], f, 0)),
            pl.BlockSpec((1, _F, _D), lambda f, b, be, v: (be[b], f, 0)),
            pl.BlockSpec((1, _D, _F), lambda f, b, be, v: (be[b], 0, f)),
        ],
        out_specs=pl.BlockSpec(
            (_BR, _D),
            lambda f, b, be, v: (
                jnp.where((f == _NF - 1) & (v[b] == 1), b, _NBLK), 0)),
        scratch_shapes=[pltpu.VMEM((_NBLK * _BR, _D), jnp.bfloat16)],
    )
    ys = pl.pallas_call(
        _moe_body,
        grid_spec=grid_spec,
        out_shape=jax.ShapeDtypeStruct((_P + _BR, _D), jnp.float32),
        compiler_params=pltpu.CompilerParams(
            vmem_limit_bytes=64 * 1024 * 1024),
    )(be[:, 0], valid[:, 0], xs, w1, w3, w2)

    both = ys[pos]
    out = wt[:, 0:1] * both[:_T] + wt[:, 1:2] * both[_T:]
    return out

# --- scband reference (transcript-rebuilt; emitter-appended) ---
"""Pipeline reference for scband-mixtral-mo-e-70016556860060 (READ-ONLY COPY).

The authoritative reference and input builder live on the scoring server;
editing this copy changes nothing except your own understanding.
"""

import jax, jax.numpy as jnp
import numpy as np

E = 8
TOP_K = 2
D = 1024
FF = 4096
T = 2048


def setup_inputs(seed: int = 0) -> dict:
    key = jax.random.key(seed)
    ks = jax.random.split(key, 5)
    hidden_states = jax.random.normal(ks[0], (T, D), dtype=jnp.float32)
    # original uses torch.rand (uniform) weights; scale by 1/sqrt(fan_in) for numerical sanity
    gate_w = jax.random.uniform(ks[1], (E, D), dtype=jnp.float32) / np.sqrt(D)
    w1 = jax.random.uniform(ks[2], (E, FF, D), dtype=jnp.float32) / np.sqrt(D)
    w3 = jax.random.uniform(ks[3], (E, FF, D), dtype=jnp.float32) / np.sqrt(D)
    w2 = jax.random.uniform(ks[4], (E, D, FF), dtype=jnp.float32) / np.sqrt(FF)
    return {"hidden_states": hidden_states, "gate_w": gate_w, "w1": w1, "w3": w3, "w2": w2}


def _silu(x):
    return x * jax.nn.sigmoid(x)


def reference(hidden_states, gate_w, w1, w3, w2):
    num_tokens, hidden_dim = hidden_states.shape
    # router
    router_logits = hidden_states @ gate_w.T
    routing_weights = jax.nn.softmax(router_logits.astype(jnp.float32), axis=1)
    routing_weights, selected_experts = jax.lax.top_k(routing_weights, TOP_K)
    routing_weights = routing_weights / jnp.sum(routing_weights, axis=-1, keepdims=True)
    routing_weights = routing_weights.astype(hidden_states.dtype)
    # expert computation: mathematically identical to torch gather/index_add loop;
    # per-token coefficient is zero for unselected experts.
    final_hidden_states = jnp.zeros((num_tokens, hidden_dim), dtype=hidden_states.dtype)
    for expert_idx in range(E):
        coef = jnp.sum(jnp.where(selected_experts == expert_idx, routing_weights, 0.0), axis=-1)
        w1_out = _silu(hidden_states @ w1[expert_idx].T)
        w3_out = hidden_states @ w3[expert_idx].T
        cur = (w1_out * w3_out) @ w2[expert_idx].T
        final_hidden_states = final_hidden_states + coef[:, None] * cur
    return final_hidden_states.reshape(num_tokens, hidden_dim)

if __name__ == "__main__":
    import jax
    _d = setup_inputs()
    print(jax.jit(kernel)(*tuple(_d.values())))

</pallas_src>

<mosaic_0001>
#map = affine_map<(d0, d1) -> (0, 0)>
#map1 = affine_map<(d0, d1) -> (0)>
module attributes {stable_mosaic.version = 14 : i64} {
  func.func @_sc_scatter(%arg0: i32, %arg1: i32, %arg2: memref<2048x1024xf32, #tpu.memory_space<hbm>>, %arg3: memref<4096xi32, #tpu.memory_space<hbm>>, %arg4: memref<8192x1024xf32, #tpu.memory_space<hbm>>, %arg5: memref<64xi32, #tpu.memory_space<vmem>>, %arg6: memref<64x1024xf32, #tpu.memory_space<vmem>>, %arg7: memref<!tpu.dma_semaphore, #tpu.memory_space<semaphore_mem>>) attributes {dimension_semantics = [#tpu.dimension_semantics<core_parallel>, #tpu.dimension_semantics<subcore_parallel>], iteration_bounds = array<i64: 2, 16>, scalar_prefetch = 0 : i64, scratch_operands = 3 : i64, tpu.core_type = #tpu.core_type<sc_vector_subcore>, window_params = [{transform_indices = #map}, {transform_indices = #map1}, {transform_indices = #map}]} {
    %mul3A = arith.constant 2 : i32
    %mul3A_0 = arith.muli %arg1, %mul3A : i32
    %add3A = arith.addi %mul3A_0, %arg0 : i32
    %mul3A_1 = arith.constant 128 : i32
    %mul3A_2 = arith.muli %add3A, %mul3A_1 : i32
    %add3A_3 = arith.constant 0 : i32
    %add3A_4 = arith.addi %mul3A_2, %add3A_3 : i32
    %rem3A = arith.constant 2048 : i32
    %rem3A_5 = arith.remsi %add3A_4, %rem3A : i32
    "tpu.region"() ({
      %run_scoped3A = tpu.sem_alloc : memref<!tpu.dma_semaphore, #tpu.memory_space<semaphore_mem>>
      %dma_start3A_22 = tpu.memref_slice %arg3[%add3A_4] : memref<4096xi32, #tpu.memory_space<hbm>> -> memref<64xi32, #tpu.memory_space<hbm>>
      %dma_start3A_23 = tpu.memref_slice %arg3[%add3A_4] : memref<4096xi32, #tpu.memory_space<hbm>> -> memref<64xi32, #tpu.memory_space<hbm>>
      tpu.enqueue_dma source(%dma_start3A_23 : memref<64xi32, #tpu.memory_space<hbm>>) target(%arg5 : memref<64xi32, #tpu.memory_space<vmem>>) target_semaphore(%run_scoped3A : memref<!tpu.dma_semaphore, #tpu.memory_space<semaphore_mem>>)
      %dma_wait3A_24 = tpu.memref_slice %arg3[%add3A_4] : memref<4096xi32, #tpu.memory_space<hbm>> -> memref<64xi32, #tpu.memory_space<hbm>>
      %dma_wait3A_25 = tpu.memref_slice %arg3[%add3A_4] : memref<4096xi32, #tpu.memory_space<hbm>> -> memref<64xi32, #tpu.memory_space<hbm>>
      tpu.wait_dma2 semaphore(%run_scoped3A : memref<!tpu.dma_semaphore, #tpu.memory_space<semaphore_mem>>) src(%dma_wait3A_25 : memref<64xi32, #tpu.memory_space<hbm>>) dst(%arg5 : memref<64xi32, #tpu.memory_space<vmem>>)
      tpu.yield
    }) : () -> ()
    "tpu.region"() ({
      %run_scoped3A = tpu.sem_alloc : memref<!tpu.dma_semaphore, #tpu.memory_space<semaphore_mem>>
      %dma_start3A_22 = arith.constant 0 : i32
      %dma_start3A_23 = tpu.memref_slice %arg2[%rem3A_5, %dma_start3A_22] : memref<2048x1024xf32, #tpu.memory_space<hbm>> -> memref<64x1024xf32, #tpu.memory_space<hbm>>
      %dma_start3A_24 = arith.constant 0 : i32
      %dma_start3A_25 = tpu.memref_slice %arg2[%rem3A_5, %dma_start3A_24] : memref<2048x1024xf32, #tpu.memory_space<hbm>> -> memref<64x1024xf32, #tpu.memory_space<hbm>>
      tpu.enqueue_dma source(%dma_start3A_25 : memref<64x1024xf32, #tpu.memory_space<hbm>>) target(%arg6 : memref<64x1024xf32, #tpu.memory_space<vmem>>) target_semaphore(%run_scoped3A : memref<!tpu.dma_semaphore, #tpu.memory_space<semaphore_mem>>)
      %dma_wait3A_26 = arith.constant 0 : i32
      %dma_wait3A_27 = tpu.memref_slice %arg2[%rem3A_5, %dma_wait3A_26] : memref<2048x1024xf32, #tpu.memory_space<hbm>> -> memref<64x1024xf32, #tpu.memory_space<hbm>>
      %dma_wait3A_28 = arith.constant 0 : i32
      %dma_wait3A_29 = tpu.memref_slice %arg2[%rem3A_5, %dma_wait3A_28] : memref<2048x1024xf32, #tpu.memory_space<hbm>> -> memref<64x1024xf32, #tpu.memory_space<hbm>>
      tpu.wait_dma2 semaphore(%run_scoped3A : memref<!tpu.dma_semaphore, #tpu.memory_space<semaphore_mem>>) src(%dma_wait3A_29 : memref<64x1024xf32, #tpu.memory_space<hbm>>) dst(%arg6 : memref<64x1024xf32, #tpu.memory_space<vmem>>)
      tpu.yield
    }) : () -> ()
    %dma_start3A = arith.constant 0 : i32
    %dma_start3A_6 = arith.constant 0 : i32
    %dma_start3A_7 = tpu.memref_slice %arg4[%dma_start3A, %dma_start3A_6] : memref<8192x1024xf32, #tpu.memory_space<hbm>> -> memref<8192x1024xf32, #tpu.memory_space<hbm>>
    tpu.enqueue_indirect_dma source(%arg6 : memref<64x1024xf32, #tpu.memory_space<vmem>>) target(%dma_start3A_7 : memref<8192x1024xf32, #tpu.memory_space<hbm>>) offsets(%arg5 : memref<64xi32, #tpu.memory_space<vmem>>) semaphore(%arg7 : memref<!tpu.dma_semaphore, #tpu.memory_space<semaphore_mem>>)
    %dma_wait3A = arith.constant 0 : i32
    %dma_wait3A_8 = arith.constant 0 : i32
    %dma_wait3A_9 = tpu.memref_slice %arg4[%dma_wait3A, %dma_wait3A_8] : memref<8192x1024xf32, #tpu.memory_space<hbm>> -> memref<8192x1024xf32, #tpu.memory_space<hbm>>
    tpu.wait_indirect_dma semaphore(%arg7 : memref<!tpu.dma_semaphore, #tpu.memory_space<semaphore_mem>>) src(%arg6 : memref<64x1024xf32, #tpu.memory_space<vmem>>) dst(%dma_wait3A_9 : memref<8192x1024xf32, #tpu.memory_space<hbm>>)
    %mul3A_10 = arith.constant 128 : i32
    %mul3A_11 = arith.muli %add3A, %mul3A_10 : i32
    %add3A_12 = arith.constant 64 : i32
    %add3A_13 = arith.addi %mul3A_11, %add3A_12 : i32
    %rem3A_14 = arith.constant 2048 : i32
    %rem3A_15 = arith.remsi %add3A_13, %rem3A_14 : i32
    "tpu.region"() ({
      %run_scoped3A = tpu.sem_alloc : memref<!tpu.dma_semaphore, #tpu.memory_space<semaphore_mem>>
      %dma_start3A_22 = tpu.memref_slice %arg3[%add3A_13] : memref<4096xi32, #tpu.memory_space<hbm>> -> memref<64xi32, #tpu.memory_space<hbm>>
      %dma_start3A_23 = tpu.memref_slice %arg3[%add3A_13] : memref<4096xi32, #tpu.memory_space<hbm>> -> memref<64xi32, #tpu.memory_space<hbm>>
      tpu.enqueue_dma source(%dma_start3A_23 : memref<64xi32, #tpu.memory_space<hbm>>) target(%arg5 : memref<64xi32, #tpu.memory_space<vmem>>) target_semaphore(%run_scoped3A : memref<!tpu.dma_semaphore, #tpu.memory_space<semaphore_mem>>)
      %dma_wait3A_24 = tpu.memref_slice %arg3[%add3A_13] : memref<4096xi32, #tpu.memory_space<hbm>> -> memref<64xi32, #tpu.memory_space<hbm>>
      %dma_wait3A_25 = tpu.memref_slice %arg3[%add3A_13] : memref<4096xi32, #tpu.memory_space<hbm>> -> memref<64xi32, #tpu.memory_space<hbm>>
      tpu.wait_dma2 semaphore(%run_scoped3A : memref<!tpu.dma_semaphore, #tpu.memory_space<semaphore_mem>>) src(%dma_wait3A_25 : memref<64xi32, #tpu.memory_space<hbm>>) dst(%arg5 : memref<64xi32, #tpu.memory_space<vmem>>)
      tpu.yield
    }) : () -> ()
    "tpu.region"() ({
      %run_scoped3A = tpu.sem_alloc : memref<!tpu.dma_semaphore, #tpu.memory_space<semaphore_mem>>
      %dma_start3A_22 = arith.constant 0 : i32
      %dma_start3A_23 = tpu.memref_slice %arg2[%rem3A_15, %dma_start3A_22] : memref<2048x1024xf32, #tpu.memory_space<hbm>> -> memref<64x1024xf32, #tpu.memory_space<hbm>>
      %dma_start3A_24 = arith.constant 0 : i32
      %dma_start3A_25 = tpu.memref_slice %arg2[%rem3A_15, %dma_start3A_24] : memref<2048x1024xf32, #tpu.memory_space<hbm>> -> memref<64x1024xf32, #tpu.memory_space<hbm>>
      tpu.enqueue_dma source(%dma_start3A_25 : memref<64x1024xf32, #tpu.memory_space<hbm>>) target(%arg6 : memref<64x1024xf32, #tpu.memory_space<vmem>>) target_semaphore(%run_scoped3A : memref<!tpu.dma_semaphore, #tpu.memory_space<semaphore_mem>>)
      %dma_wait3A_26 = arith.constant 0 : i32
      %dma_wait3A_27 = tpu.memref_slice %arg2[%rem3A_15, %dma_wait3A_26] : memref<2048x1024xf32, #tpu.memory_space<hbm>> -> memref<64x1024xf32, #tpu.memory_space<hbm>>
      %dma_wait3A_28 = arith.constant 0 : i32
      %dma_wait3A_29 = tpu.memref_slice %arg2[%rem3A_15, %dma_wait3A_28] : memref<2048x1024xf32, #tpu.memory_space<hbm>> -> memref<64x1024xf32, #tpu.memory_space<hbm>>
      tpu.wait_dma2 semaphore(%run_scoped3A : memref<!tpu.dma_semaphore, #tpu.memory_space<semaphore_mem>>) src(%dma_wait3A_29 : memref<64x1024xf32, #tpu.memory_space<hbm>>) dst(%arg6 : memref<64x1024xf32, #tpu.memory_space<vmem>>)
      tpu.yield
    }) : () -> ()
    %dma_start3A_16 = arith.constant 0 : i32
    %dma_start3A_17 = arith.constant 0 : i32
    %dma_start3A_18 = tpu.memref_slice %arg4[%dma_start3A_16, %dma_start3A_17] : memref<8192x1024xf32, #tpu.memory_space<hbm>> -> memref<8192x1024xf32, #tpu.memory_space<hbm>>
    tpu.enqueue_indirect_dma source(%arg6 : memref<64x1024xf32, #tpu.memory_space<vmem>>) target(%dma_start3A_18 : memref<8192x1024xf32, #tpu.memory_space<hbm>>) offsets(%arg5 : memref<64xi32, #tpu.memory_space<vmem>>) semaphore(%arg7 : memref<!tpu.dma_semaphore, #tpu.memory_space<semaphore_mem>>)
    %dma_wait3A_19 = arith.constant 0 : i32
    %dma_wait3A_20 = arith.constant 0 : i32
    %dma_wait3A_21 = tpu.memref_slice %arg4[%dma_wait3A_19, %dma_wait3A_20] : memref<8192x1024xf32, #tpu.memory_space<hbm>> -> memref<8192x1024xf32, #tpu.memory_space<hbm>>
    tpu.wait_indirect_dma semaphore(%arg7 : memref<!tpu.dma_semaphore, #tpu.memory_space<semaphore_mem>>) src(%arg6 : memref<64x1024xf32, #tpu.memory_space<vmem>>) dst(%dma_wait3A_21 : memref<8192x1024xf32, #tpu.memory_space<hbm>>)
    return
  }
}

module attributes {stable_mosaic.version = 14 : i64} {
  func.func @_moe_body(%arg0: i32, %arg1: i32, %arg2: memref<16xi32, #tpu.memory_space<smem>>, %arg3: memref<16xi32, #tpu.memory_space<smem>>, %arg4: memref<512x1024xf32, #tpu.memory_space<vmem>>, %arg5: memref<1x1024x1024xf32, #tpu.memory_space<vmem>>, %arg6: memref<1x1024x1024xf32, #tpu.memory_space<vmem>>, %arg7: memref<1x1024x1024xf32, #tpu.memory_space<vmem>>, %arg8: memref<512x1024xf32, #tpu.memory_space<vmem>>, %arg9: memref<8192x1024xbf16, #tpu.memory_space<vmem>>) attributes {dimension_semantics = [#tpu.dimension_semantics<arbitrary>, #tpu.dimension_semantics<arbitrary>], iteration_bounds = array<i64: 4, 16>, scalar_prefetch = 2 : i64, scratch_operands = 1 : i64, tpu.core_type = #tpu.core_type<tc>, window_params = [{transform_indices = @transform_0, window_bounds = array<i64: 512, 1024>}, {transform_indices = @transform_1, window_bounds = array<i64: 1, 1024, 1024>}, {transform_indices = @transform_2, window_bounds = array<i64: 1, 1024, 1024>}, {transform_indices = @transform_3, window_bounds = array<i64: 1, 1024, 1024>}, {transform_indices = @transform_4, window_bounds = array<i64: 512, 1024>}]} {
    %get3A = arith.index_cast %arg1 : i32 to index
    %get3A_0 = memref.load %arg3[%get3A] : memref<16xi32, #tpu.memory_space<smem>>
    %eq3A = arith.constant 1 : i32
    %eq3A_1 = arith.cmpi eq, %get3A_0, %eq3A : i32
    %convert_element_type3A = arith.extui %eq3A_1 : i1 to i32
    %cond3A = arith.constant 0 : i32
    %cond3A_2 = arith.cmpi ne, %convert_element_type3A, %cond3A : i32
    scf.if %cond3A_2 {
      %mul3A = arith.constant 512 : i32
      %mul3A_3 = arith.muli %arg1, %mul3A : i32
      %get3A_4 = arith.constant 0 : index
      %get3A_5 = arith.constant 0 : index
      %get3A_6 = vector.load %arg4[%get3A_4, %get3A_5] : memref<512x1024xf32, #tpu.memory_space<vmem>>, vector<512x1024xf32>
      %get3A_7 = arith.constant 0 : index
      %get3A_8 = arith.constant 0 : index
      %get3A_9 = arith.constant 0 : index
      %get3A_10 = vector.load %arg5[%get3A_7, %get3A_8, %get3A_9] : memref<1x1024x1024xf32, #tpu.memory_space<vmem>>, vector<1x1024x1024xf32>
      %get3A_11 = vector.shape_cast %get3A_10 : vector<1x1024x1024xf32> to vector<1024x1024xf32>
      %dot_general3A = arith.constant dense<0.000000e+00> : vector<512x1024xf32>
      %dot_general3A_12 = tpu.matmul %get3A_6, %get3A_11, %dot_general3A {dimension_numbers = #tpu.dot_dimension_numbers<[1], [1], [0], [0], [0, 0, 1, 0], [], []>, transpose_lhs_hint = false} : vector<512x1024xf32>, vector<1024x1024xf32>, vector<512x1024xf32> -> vector<512x1024xf32>
      %get3A_13 = arith.constant 0 : index
      %get3A_14 = arith.constant 0 : index
      %get3A_15 = arith.constant 0 : index
      %get3A_16 = vector.load %arg6[%get3A_13, %get3A_14, %get3A_15] : memref<1x1024x1024xf32, #tpu.memory_space<vmem>>, vector<1x1024x1024xf32>
      %get3A_17 = vector.shape_cast %get3A_16 : vector<1x1024x1024xf32> to vector<1024x1024xf32>
      %dot_general3A_18 = arith.constant dense<0.000000e+00> : vector<512x1024xf32>
      %dot_general3A_19 = tpu.matmul %get3A_6, %get3A_17, %dot_general3A_18 {dimension_numbers = #tpu.dot_dimension_numbers<[1], [1], [0], [0], [0, 0, 1, 0], [], []>, transpose_lhs_hint = false} : vector<512x1024xf32>, vector<1024x1024xf32>, vector<512x1024xf32> -> vector<512x1024xf32>
      %logistic3A = arith.negf %dot_general3A_12 : vector<512x1024xf32>
      %logistic3A_20 = math.exp %logistic3A : vector<512x1024xf32>
      %logistic3A_21 = arith.constant 1.000000e+00 : f32
      %logistic3A_22 = vector.broadcast %logistic3A_21 : f32 to vector<512x1024xf32>
      %logistic3A_23 = arith.addf %logistic3A_22, %logistic3A_20 : vector<512x1024xf32>
      %logistic3A_24 = arith.divf %logistic3A_22, %logistic3A_23 : vector<512x1024xf32>
      %mul3A_25 = arith.mulf %dot_general3A_12, %logistic3A_24 : vector<512x1024xf32>
      %mul3A_26 = arith.mulf %mul3A_25, %dot_general3A_19 : vector<512x1024xf32>
      %get3A_27 = arith.constant 0 : index
      %get3A_28 = arith.constant 0 : index
      %get3A_29 = arith.constant 0 : index
      %get3A_30 = vector.load %arg7[%get3A_27, %get3A_28, %get3A_29] : memref<1x1024x1024xf32, #tpu.memory_space<vmem>>, vector<1x1024x1024xf32>
      %get3A_31 = vector.shape_cast %get3A_30 : vector<1x1024x1024xf32> to vector<1024x1024xf32>
      %dot_general3A_32 = arith.constant dense<0.000000e+00> : vector<512x1024xf32>
      %dot_general3A_33 = tpu.matmul %mul3A_26, %get3A_31, %dot_general3A_32 {dimension_numbers = #tpu.dot_dimension_numbers<[1], [1], [0], [0], [0, 0, 1, 0], [], []>, transpose_lhs_hint = false} : vector<512x1024xf32>, vector<1024x1024xf32>, vector<512x1024xf32> -> vector<512x1024xf32>
      %eq3A_34 = arith.constant 0 : i32
      %eq3A_35 = arith.cmpi eq, %arg0, %eq3A_34 : i32
      %convert_element_type3A_36 = arith.extui %eq3A_35 : i1 to i32
      %cond3A_37 = arith.constant 0 : i32
      %cond3A_38 = arith.cmpi ne, %convert_element_type3A_36, %cond3A_37 : i32
      scf.if %cond3A_38 {
        %convert_element_type3A_49 = arith.truncf %dot_general3A_33 : vector<512x1024xf32> to vector<512x1024xbf16>
        %swap3A = arith.index_cast %mul3A_3 : i32 to index
        %swap3A_50 = arith.constant 0 : index
        %swap3A_51 = vector.load %arg9[%swap3A, %swap3A_50] : memref<8192x1024xbf16, #tpu.memory_space<vmem>>, vector<512x1024xbf16>
        tpu.vector_store %arg9[%swap3A, %swap3A_50], %convert_element_type3A_49 {strides = array<i32>} : memref<8192x1024xbf16, #tpu.memory_space<vmem>>, vector<512x1024xbf16>,
      } else {
      }
      %gt3A = arith.constant 0 : i32
      %gt3A_39 = arith.cmpi sgt, %arg0, %gt3A : i32
      %lt3A = arith.constant 3 : i32
      %lt3A_40 = arith.cmpi slt, %arg0, %lt3A : i32
      %and3A = arith.andi %gt3A_39, %lt3A_40 : i1
      %convert_element_type3A_41 = arith.extui %and3A : i1 to i32
      %cond3A_42 = arith.constant 0 : i32
      %cond3A_43 = arith.cmpi ne, %convert_element_type3A_41, %cond3A_42 : i32
      scf.if %cond3A_43 {
        %get3A_49 = arith.index_cast %mul3A_3 : i32 to index
        %get3A_50 = arith.constant 0 : index
        %get3A_51 = vector.load %arg9[%get3A_49, %get3A_50] : memref<8192x1024xbf16, #tpu.memory_space<vmem>>, vector<512x1024xbf16>
        %convert_element_type3A_52 = arith.extf %get3A_51 : vector<512x1024xbf16> to vector<512x1024xf32>
        %add3A = arith.addf %convert_element_type3A_52, %dot_general3A_33 : vector<512x1024xf32>
        %convert_element_type3A_53 = arith.truncf %add3A : vector<512x1024xf32> to vector<512x1024xbf16>
        %swap3A = arith.index_cast %mul3A_3 : i32 to index
        %swap3A_54 = arith.constant 0 : index
        %swap3A_55 = vector.load %arg9[%swap3A, %swap3A_54] : memref<8192x1024xbf16, #tpu.memory_space<vmem>>, vector<512x1024xbf16>
        tpu.vector_store %arg9[%swap3A, %swap3A_54], %convert_element_type3A_53 {strides = array<i32>} : memref<8192x1024xbf16, #tpu.memory_space<vmem>>, vector<512x1024xbf16>,
      } else {
      }
      %eq3A_44 = arith.constant 3 : i32
      %eq3A_45 = arith.cmpi eq, %arg0, %eq3A_44 : i32
      %convert_element_type3A_46 = arith.extui %eq3A_45 : i1 to i32
      %cond3A_47 = arith.constant 0 : i32
      %cond3A_48 = arith.cmpi ne, %convert_element_type3A_46, %cond3A_47 : i32
      scf.if %cond3A_48 {
        %get3A_49 = arith.index_cast %mul3A_3 : i32 to index
        %get3A_50 = arith.constant 0 : index
        %get3A_51 = vector.load %arg9[%get3A_49, %get3A_50] : memref<8192x1024xbf16, #tpu.memory_space<vmem>>, vector<512x1024xbf16>
        %convert_element_type3A_52 = arith.extf %get3A_51 : vector<512x1024xbf16> to vector<512x1024xf32>
        %add3A = arith.addf %convert_element_type3A_52, %dot_general3A_33 : vector<512x1024xf32>
        %swap3A = arith.constant 0 : index
        %swap3A_53 = arith.constant 0 : index
        %swap3A_54 = vector.load %arg8[%swap3A, %swap3A_53] : memref<512x1024xf32, #tpu.memory_space<vmem>>, vector<512x1024xf32>
        tpu.vector_store %arg8[%swap3A, %swap3A_53], %add3A {strides = array<i32>} : memref<512x1024xf32, #tpu.memory_space<vmem>>, vector<512x1024xf32>,
      } else {
      }
    } else {
    }
    return
  }
  func.func @transform_0(%arg0: i32, %arg1: i32, %arg2: memref<16xi32, #tpu.memory_space<smem>>, %arg3: memref<16xi32, #tpu.memory_space<smem>>) -> (i32, i32) {
    %get3A = arith.index_cast %arg1 : i32 to index
    %get3A_0 = memref.load %arg3[%get3A] : memref<16xi32, #tpu.memory_space<smem>>
    %eq3A = arith.constant 1 : i32
    %eq3A_1 = arith.cmpi eq, %get3A_0, %eq3A : i32
    %jit3A = arith.constant 0 : i32
    %select_n3A = arith.select %eq3A_1, %arg1, %jit3A : i32
    %c0_i32 = arith.constant 0 : i32
    %c0_i32_2 = arith.constant 0 : i32
    return %select_n3A, %c0_i32 : i32, i32
  }
  func.func @transform_1(%arg0: i32, %arg1: i32, %arg2: memref<16xi32, #tpu.memory_space<smem>>, %arg3: memref<16xi32, #tpu.memory_space<smem>>) -> (i32, i32, i32) {
    %get3A = arith.index_cast %arg1 : i32 to index
    %get3A_0 = memref.load %arg2[%get3A] : memref<16xi32, #tpu.memory_space<smem>>
    %c0_i32 = arith.constant 0 : i32
    %c0_i32_1 = arith.constant 0 : i32
    return %get3A_0, %arg0, %c0_i32 : i32, i32, i32
  }
  func.func @transform_2(%arg0: i32, %arg1: i32, %arg2: memref<16xi32, #tpu.memory_space<smem>>, %arg3: memref<16xi32, #tpu.memory_space<smem>>) -> (i32, i32, i32) {
    %get3A = arith.index_cast %arg1 : i32 to index
    %get3A_0 = memref.load %arg2[%get3A] : memref<16xi32, #tpu.memory_space<smem>>
    %c0_i32 = arith.constant 0 : i32
    %c0_i32_1 = arith.constant 0 : i32
    return %get3A_0, %arg0, %c0_i32 : i32, i32, i32
  }
  func.func @transform_3(%arg0: i32, %arg1: i32, %arg2: memref<16xi32, #tpu.memory_space<smem>>, %arg3: memref<16xi32, #tpu.memory_space<smem>>) -> (i32, i32, i32) {
    %get3A = arith.index_cast %arg1 : i32 to index
    %get3A_0 = memref.load %arg2[%get3A] : memref<16xi32, #tpu.memory_space<smem>>
    %c0_i32 = arith.constant 0 : i32
    %c0_i32_1 = arith.constant 0 : i32
    return %get3A_0, %c0_i32, %arg0 : i32, i32, i32
  }
  func.func @transform_4(%arg0: i32, %arg1: i32, %arg2: memref<16xi32, #tpu.memory_space<smem>>, %arg3: memref<16xi32, #tpu.memory_space<smem>>) -> (i32, i32) {
    %eq3A = arith.constant 3 : i32
    %eq3A_0 = arith.cmpi eq, %arg0, %eq3A : i32
    %get3A = arith.index_cast %arg1 : i32 to index
    %get3A_1 = memref.load %arg3[%get3A] : memref<16xi32, #tpu.memory_space<smem>>
    %eq3A_2 = arith.constant 1 : i32
    %eq3A_3 = arith.cmpi eq, %get3A_1, %eq3A_2 : i32
    %and3A = arith.andi %eq3A_0, %eq3A_3 : i1
    %jit3A = arith.constant 16 : i32
    %select_n3A = arith.select %and3A, %arg1, %jit3A : i32
    %c0_i32 = arith.constant 0 : i32
    %c0_i32_4 = arith.constant 0 : i32
    return %select_n3A, %c0_i32 : i32, i32
  }
}

module attributes {stable_mosaic.version = 14 : i64} {
  func.func @_router_body(%arg0: memref<2048x1024xf32, #tpu.memory_space<vmem>>, %arg1: memref<8x1024xf32, #tpu.memory_space<vmem>>, %arg2: memref<4096x1xi32, #tpu.memory_space<vmem>>, %arg3: memref<2048x2xf32, #tpu.memory_space<vmem>>, %arg4: memref<16x1xi32, #tpu.memory_space<vmem>>, %arg5: memref<16x1xi32, #tpu.memory_space<vmem>>) attributes {dimension_semantics = [], scalar_prefetch = 0 : i64, scratch_operands = 0 : i64, tpu.core_type = #tpu.core_type<tc>} {
    %get3A = arith.constant 0 : index
    %get3A_0 = arith.constant 0 : index
    %get3A_1 = vector.load %arg0[%get3A, %get3A_0] : memref<2048x1024xf32, #tpu.memory_space<vmem>>, vector<2048x1024xf32>
    %get3A_2 = arith.constant 0 : index
    %get3A_3 = arith.constant 0 : index
    %get3A_4 = vector.load %arg1[%get3A_2, %get3A_3] : memref<8x1024xf32, #tpu.memory_space<vmem>>, vector<8x1024xf32>
    %dot_general3A = arith.constant dense<0.000000e+00> : vector<2048x8xf32>
    %dot_general3A_5 = tpu.matmul %get3A_1, %get3A_4, %dot_general3A {dimension_numbers = #tpu.dot_dimension_numbers<[1], [1], [0], [0], [0, 0, 1, 0], [], []>, transpose_lhs_hint = false} : vector<2048x1024xf32>, vector<8x1024xf32>, vector<2048x8xf32> -> vector<2048x8xf32>
    %reduce_max3A = arith.constant dense<0xFF800000> : vector<2048xf32>
    %reduce_max3A_6 = vector.multi_reduction <maximumf>, %dot_general3A_5, %reduce_max3A [1] : vector<2048x8xf32> to vector<2048xf32>
    %broadcast_in_dim3A = vector.shape_cast %reduce_max3A_6 : vector<2048xf32> to vector<2048x1xf32>
    %sub3A = vector.broadcast %broadcast_in_dim3A : vector<2048x1xf32> to vector<2048x8xf32>
    %sub3A_7 = arith.subf %dot_general3A_5, %sub3A : vector<2048x8xf32>
    %exp3A = math.exp %sub3A_7 : vector<2048x8xf32>
    %reduce_sum3A = arith.constant dense<0.000000e+00> : vector<2048xf32>
    %reduce_sum3A_8 = vector.multi_reduction <add>, %exp3A, %reduce_sum3A [1] : vector<2048x8xf32> to vector<2048xf32>
    %broadcast_in_dim3A_9 = vector.shape_cast %reduce_sum3A_8 : vector<2048xf32> to vector<2048x1xf32>
    %div3A = vector.broadcast %broadcast_in_dim3A_9 : vector<2048x1xf32> to vector<2048x8xf32>
    %div3A_10 = arith.divf %exp3A, %div3A : vector<2048x8xf32>
    %iota3A = tpu.iota {dimensions = array<i32: 1>} : vector<2048x8xi32>
    %reduce_max3A_11 = arith.constant dense<0xFF800000> : vector<2048xf32>
    %reduce_max3A_12 = vector.multi_reduction <maximumf>, %div3A_10, %reduce_max3A_11 [1] : vector<2048x8xf32> to vector<2048xf32>
    %broadcast_in_dim3A_13 = vector.shape_cast %reduce_max3A_12 : vector<2048xf32> to vector<2048x1xf32>
    %eq3A = vector.broadcast %broadcast_in_dim3A_13 : vector<2048x1xf32> to vector<2048x8xf32>
    %eq3A_14 = arith.cmpf oeq, %div3A_10, %eq3A : vector<2048x8xf32>
    %jit3A = arith.constant 8 : i32
    %broadcast_in_dim3A_15 = vector.broadcast %jit3A : i32 to vector<2048x8xi32>
    %select_n3A = arith.select %eq3A_14, %iota3A, %broadcast_in_dim3A_15 : vector<2048x8xi1>, vector<2048x8xi32>
    %reduce_min3A = arith.constant dense<2147483647> : vector<2048xi32>
    %reduce_min3A_16 = vector.multi_reduction <minsi>, %select_n3A, %reduce_min3A [1] : vector<2048x8xi32> to vector<2048xi32>
    %broadcast_in_dim3A_17 = vector.shape_cast %reduce_min3A_16 : vector<2048xi32> to vector<2048x1xi32>
    %eq3A_18 = vector.broadcast %broadcast_in_dim3A_17 : vector<2048x1xi32> to vector<2048x8xi32>
    %eq3A_19 = arith.cmpi eq, %iota3A, %eq3A_18 : vector<2048x8xi32>
    %jit3A_20 = arith.constant 0xFF800000 : f32
    %broadcast_in_dim3A_21 = vector.broadcast %jit3A_20 : f32 to vector<2048x8xf32>
    %select_n3A_22 = arith.select %eq3A_19, %broadcast_in_dim3A_21, %div3A_10 : vector<2048x8xi1>, vector<2048x8xf32>
    %reduce_max3A_23 = arith.constant dense<0xFF800000> : vector<2048xf32>
    %reduce_max3A_24 = vector.multi_reduction <maximumf>, %select_n3A_22, %reduce_max3A_23 [1] : vector<2048x8xf32> to vector<2048xf32>
    %broadcast_in_dim3A_25 = vector.shape_cast %reduce_max3A_24 : vector<2048xf32> to vector<2048x1xf32>
    %eq3A_26 = vector.broadcast %broadcast_in_dim3A_25 : vector<2048x1xf32> to vector<2048x8xf32>
    %eq3A_27 = arith.cmpf oeq, %select_n3A_22, %eq3A_26 : vector<2048x8xf32>
    %jit3A_28 = arith.constant 8 : i32
    %broadcast_in_dim3A_29 = vector.broadcast %jit3A_28 : i32 to vector<2048x8xi32>
    %select_n3A_30 = arith.select %eq3A_27, %iota3A, %broadcast_in_dim3A_29 : vector<2048x8xi1>, vector<2048x8xi32>
    %reduce_min3A_31 = arith.constant dense<2147483647> : vector<2048xi32>
    %reduce_min3A_32 = vector.multi_reduction <minsi>, %select_n3A_30, %reduce_min3A_31 [1] : vector<2048x8xi32> to vector<2048xi32>
    %broadcast_in_dim3A_33 = vector.shape_cast %reduce_min3A_32 : vector<2048xi32> to vector<2048x1xi32>
    %add3A = arith.addf %broadcast_in_dim3A_13, %broadcast_in_dim3A_25 : vector<2048x1xf32>
    %div3A_34 = arith.divf %broadcast_in_dim3A_13, %add3A : vector<2048x1xf32>
    %div3A_35 = arith.divf %broadcast_in_dim3A_25, %add3A : vector<2048x1xf32>
    %concatenate3A = tpu.concatenate %div3A_34, %div3A_35 in 1 : vector<2048x1xf32>, vector<2048x1xf32> -> vector<2048x2xf32>
    %swap3A = arith.constant 0 : index
    %swap3A_36 = arith.constant 0 : index
    %swap3A_37 = vector.load %arg3[%swap3A, %swap3A_36] : memref<2048x2xf32, #tpu.memory_space<vmem>>, vector<2048x2xf32>
    tpu.vector_store %arg3[%swap3A, %swap3A_36], %concatenate3A {strides = array<i32>} : memref<2048x2xf32, #tpu.memory_space<vmem>>, vector<2048x2xf32>,
    %eq3A_38 = vector.broadcast %broadcast_in_dim3A_17 : vector<2048x1xi32> to vector<2048x8xi32>
    %eq3A_39 = arith.cmpi eq, %iota3A, %eq3A_38 : vector<2048x8xi32>
    %convert_element_type3A = arith.extui %eq3A_39 : vector<2048x8xi1> to vector<2048x8xi32>
    %eq3A_40 = vector.broadcast %broadcast_in_dim3A_33 : vector<2048x1xi32> to vector<2048x8xi32>
    %eq3A_41 = arith.cmpi eq, %iota3A, %eq3A_40 : vector<2048x8xi32>
    %convert_element_type3A_42 = arith.extui %eq3A_41 : vector<2048x8xi1> to vector<2048x8xi32>
    %concatenate3A_43 = tpu.concatenate %convert_element_type3A, %convert_element_type3A_42 in 0 : vector<2048x8xi32>, vector<2048x8xi32> -> vector<4096x8xi32>
    %broadcast_in_dim3A_44 = arith.constant 0 : i32
    %broadcast_in_dim3A_45 = vector.broadcast %broadcast_in_dim3A_44 : i32 to vector<1x8xi32>
    %slice3A = vector.extract_strided_slice %concatenate3A_43 {offsets = [0, 0], sizes = [4095, 8], strides = [1, 1]} : vector<4096x8xi32> to vector<4095x8xi32>
    %concatenate3A_46 = tpu.concatenate %broadcast_in_dim3A_45, %slice3A in 0 : vector<1x8xi32>, vector<4095x8xi32> -> vector<4096x8xi32>
    %add3A_47 = arith.addi %concatenate3A_43, %concatenate3A_46 : vector<4096x8xi32>
    %broadcast_in_dim3A_48 = arith.constant 0 : i32
    %broadcast_in_dim3A_49 = vector.broadcast %broadcast_in_dim3A_48 : i32 to vector<2x8xi32>
    %slice3A_50 = vector.extract_strided_slice %add3A_47 {offsets = [0, 0], sizes = [4094, 8], strides = [1, 1]} : vector<4096x8xi32> to vector<4094x8xi32>
    %concatenate3A_51 = tpu.concatenate %broadcast_in_dim3A_49, %slice3A_50 in 0 : vector<2x8xi32>, vector<4094x8xi32> -> vector<4096x8xi32>
    %add3A_52 = arith.addi %add3A_47, %concatenate3A_51 : vector<4096x8xi32>
    %broadcast_in_dim3A_53 = arith.constant 0 : i32
    %broadcast_in_dim3A_54 = vector.broadcast %broadcast_in_dim3A_53 : i32 to vector<4x8xi32>
    %slice3A_55 = vector.extract_strided_slice %add3A_52 {offsets = [0, 0], sizes = [4092, 8], strides = [1, 1]} : vector<4096x8xi32> to vector<4092x8xi32>
    %concatenate3A_56 = tpu.concatenate %broadcast_in_dim3A_54, %slice3A_55 in 0 : vector<4x8xi32>, vector<4092x8xi32> -> vector<4096x8xi32>
    %add3A_57 = arith.addi %add3A_52, %concatenate3A_56 : vector<4096x8xi32>
    %broadcast_in_dim3A_58 = arith.constant 0 : i32
    %broadcast_in_dim3A_59 = vector.broadcast %broadcast_in_dim3A_58 : i32 to vector<8x8xi32>
    %slice3A_60 = vector.extract_strided_slice %add3A_57 {offsets = [0, 0], sizes = [4088, 8], strides = [1, 1]} : vector<4096x8xi32> to vector<4088x8xi32>
    %concatenate3A_61 = tpu.concatenate %broadcast_in_dim3A_59, %slice3A_60 in 0 : vector<8x8xi32>, vector<4088x8xi32> -> vector<4096x8xi32>
    %add3A_62 = arith.addi %add3A_57, %concatenate3A_61 : vector<4096x8xi32>
    %broadcast_in_dim3A_63 = arith.constant 0 : i32
    %broadcast_in_dim3A_64 = vector.broadcast %broadcast_in_dim3A_63 : i32 to vector<16x8xi32>
    %slice3A_65 = vector.extract_strided_slice %add3A_62 {offsets = [0, 0], sizes = [4080, 8], strides = [1, 1]} : vector<4096x8xi32> to vector<4080x8xi32>
    %concatenate3A_66 = tpu.concatenate %broadcast_in_dim3A_64, %slice3A_65 in 0 : vector<16x8xi32>, vector<4080x8xi32> -> vector<4096x8xi32>
    %add3A_67 = arith.addi %add3A_62, %concatenate3A_66 : vector<4096x8xi32>
    %broadcast_in_dim3A_68 = arith.constant 0 : i32
    %broadcast_in_dim3A_69 = vector.broadcast %broadcast_in_dim3A_68 : i32 to vector<32x8xi32>
    %slice3A_70 = vector.extract_strided_slice %add3A_67 {offsets = [0, 0], sizes = [4064, 8], strides = [1, 1]} : vector<4096x8xi32> to vector<4064x8xi32>
    %concatenate3A_71 = tpu.concatenate %broadcast_in_dim3A_69, %slice3A_70 in 0 : vector<32x8xi32>, vector<4064x8xi32> -> vector<4096x8xi32>
    %add3A_72 = arith.addi %add3A_67, %concatenate3A_71 : vector<4096x8xi32>
    %broadcast_in_dim3A_73 = arith.constant 0 : i32
    %broadcast_in_dim3A_74 = vector.broadcast %broadcast_in_dim3A_73 : i32 to vector<64x8xi32>
    %slice3A_75 = vector.extract_strided_slice %add3A_72 {offsets = [0, 0], sizes = [4032, 8], strides = [1, 1]} : vector<4096x8xi32> to vector<4032x8xi32>
    %concatenate3A_76 = tpu.concatenate %broadcast_in_dim3A_74, %slice3A_75 in 0 : vector<64x8xi32>, vector<4032x8xi32> -> vector<4096x8xi32>
    %add3A_77 = arith.addi %add3A_72, %concatenate3A_76 : vector<4096x8xi32>
    %broadcast_in_dim3A_78 = arith.constant 0 : i32
    %broadcast_in_dim3A_79 = vector.broadcast %broadcast_in_dim3A_78 : i32 to vector<128x8xi32>
    %slice3A_80 = vector.extract_strided_slice %add3A_77 {offsets = [0, 0], sizes = [3968, 8], strides = [1, 1]} : vector<4096x8xi32> to vector<3968x8xi32>
    %concatenate3A_81 = tpu.concatenate %broadcast_in_dim3A_79, %slice3A_80 in 0 : vector<128x8xi32>, vector<3968x8xi32> -> vector<4096x8xi32>
    %add3A_82 = arith.addi %add3A_77, %concatenate3A_81 : vector<4096x8xi32>
    %broadcast_in_dim3A_83 = arith.constant 0 : i32
    %broadcast_in_dim3A_84 = vector.broadcast %broadcast_in_dim3A_83 : i32 to vector<256x8xi32>
    %slice3A_85 = vector.extract_strided_slice %add3A_82 {offsets = [0, 0], sizes = [3840, 8], strides = [1, 1]} : vector<4096x8xi32> to vector<3840x8xi32>
    %concatenate3A_86 = tpu.concatenate %broadcast_in_dim3A_84, %slice3A_85 in 0 : vector<256x8xi32>, vector<3840x8xi32> -> vector<4096x8xi32>
    %add3A_87 = arith.addi %add3A_82, %concatenate3A_86 : vector<4096x8xi32>
    %broadcast_in_dim3A_88 = arith.constant 0 : i32
    %broadcast_in_dim3A_89 = vector.broadcast %broadcast_in_dim3A_88 : i32 to vector<512x8xi32>
    %slice3A_90 = vector.extract_strided_slice %add3A_87 {offsets = [0, 0], sizes = [3584, 8], strides = [1, 1]} : vector<4096x8xi32> to vector<3584x8xi32>
    %concatenate3A_91 = tpu.concatenate %broadcast_in_dim3A_89, %slice3A_90 in 0 : vector<512x8xi32>, vector<3584x8xi32> -> vector<4096x8xi32>
    %add3A_92 = arith.addi %add3A_87, %concatenate3A_91 : vector<4096x8xi32>
    %broadcast_in_dim3A_93 = arith.constant 0 : i32
    %broadcast_in_dim3A_94 = vector.broadcast %broadcast_in_dim3A_93 : i32 to vector<1024x8xi32>
    %slice3A_95 = vector.extract_strided_slice %add3A_92 {offsets = [0, 0], sizes = [3072, 8], strides = [1, 1]} : vector<4096x8xi32> to vector<3072x8xi32>
    %concatenate3A_96 = tpu.concatenate %broadcast_in_dim3A_94, %slice3A_95 in 0 : vector<1024x8xi32>, vector<3072x8xi32> -> vector<4096x8xi32>
    %add3A_97 = arith.addi %add3A_92, %concatenate3A_96 : vector<4096x8xi32>
    %broadcast_in_dim3A_98 = arith.constant 0 : i32
    %broadcast_in_dim3A_99 = vector.broadcast %broadcast_in_dim3A_98 : i32 to vector<2048x8xi32>
    %slice3A_100 = vector.extract_strided_slice %add3A_97 {offsets = [0, 0], sizes = [2048, 8], strides = [1, 1]} : vector<4096x8xi32> to vector<2048x8xi32>
    %concatenate3A_101 = tpu.concatenate %broadcast_in_dim3A_99, %slice3A_100 in 0 : vector<2048x8xi32>, vector<2048x8xi32> -> vector<4096x8xi32>
    %add3A_102 = arith.addi %add3A_97, %concatenate3A_101 : vector<4096x8xi32>
    %sub3A_103 = arith.subi %add3A_102, %concatenate3A_43 : vector<4096x8xi32>
    %mul3A = arith.muli %sub3A_103, %concatenate3A_43 : vector<4096x8xi32>
    %reduce_sum3A_104 = arith.constant dense<0> : vector<4096xi32>
    %reduce_sum3A_105 = vector.multi_reduction <add>, %mul3A, %reduce_sum3A_104 [1] : vector<4096x8xi32> to vector<4096xi32>
    %broadcast_in_dim3A_106 = vector.shape_cast %reduce_sum3A_105 : vector<4096xi32> to vector<4096x1xi32>
    %slice3A_107 = vector.extract_strided_slice %add3A_102 {offsets = [4095, 0], sizes = [1, 8], strides = [1, 1]} : vector<4096x8xi32> to vector<1x8xi32>
    %add3A_108 = arith.constant 511 : i32
    %add3A_109 = vector.broadcast %add3A_108 : i32 to vector<1x8xi32>
    %add3A_110 = arith.addi %slice3A_107, %add3A_109 : vector<1x8xi32>
    %jit3A_111 = arith.constant 512 : i32
    %div3A_112 = vector.broadcast %jit3A_111 : i32 to vector<1x8xi32>
    %div3A_113 = arith.divsi %add3A_110, %div3A_112 : vector<1x8xi32>
    %sign3A = arith.constant 0 : i32
    %sign3A_114 = vector.broadcast %sign3A : i32 to vector<1x8xi32>
    %sign3A_115 = arith.cmpi sgt, %add3A_110, %sign3A_114 : vector<1x8xi32>
    %sign3A_116 = arith.extui %sign3A_115 : vector<1x8xi1> to vector<1x8xi32>
    %sign3A_117 = arith.constant 0 : i32
    %sign3A_118 = vector.broadcast %sign3A_117 : i32 to vector<1x8xi32>
    %sign3A_119 = arith.cmpi slt, %add3A_110, %sign3A_118 : vector<1x8xi32>
    %sign3A_120 = arith.extui %sign3A_119 : vector<1x8xi1> to vector<1x8xi32>
    %sign3A_121 = arith.subi %sign3A_116, %sign3A_120 : vector<1x8xi32>
    %sign3A_122 = arith.constant 0 : i32
    %sign3A_123 = arith.cmpi sgt, %jit3A_111, %sign3A_122 : i32
    %sign3A_124 = arith.extui %sign3A_123 : i1 to i32
    %sign3A_125 = arith.constant 0 : i32
    %sign3A_126 = arith.cmpi slt, %jit3A_111, %sign3A_125 : i32
    %sign3A_127 = arith.extui %sign3A_126 : i1 to i32
    %sign3A_128 = arith.subi %sign3A_124, %sign3A_127 : i32
    %ne3A = vector.broadcast %sign3A_128 : i32 to vector<1x8xi32>
    %ne3A_129 = arith.cmpi ne, %sign3A_121, %ne3A : vector<1x8xi32>
    %rem3A = vector.broadcast %jit3A_111 : i32 to vector<1x8xi32>
    %rem3A_130 = arith.remsi %add3A_110, %rem3A : vector<1x8xi32>
    %ne3A_131 = arith.constant 0 : i32
    %ne3A_132 = vector.broadcast %ne3A_131 : i32 to vector<1x8xi32>
    %ne3A_133 = arith.cmpi ne, %rem3A_130, %ne3A_132 : vector<1x8xi32>
    %and3A = arith.andi %ne3A_129, %ne3A_133 : vector<1x8xi1>
    %sub3A_134 = arith.constant 1 : i32
    %sub3A_135 = vector.broadcast %sub3A_134 : i32 to vector<1x8xi32>
    %sub3A_136 = arith.subi %div3A_113, %sub3A_135 : vector<1x8xi32>
    %select_n3A_137 = arith.select %and3A, %sub3A_136, %div3A_113 : vector<1x8xi1>, vector<1x8xi32>
    %mul3A_138 = arith.constant 512 : i32
    %mul3A_139 = vector.broadcast %mul3A_138 : i32 to vector<1x8xi32>
    %mul3A_140 = arith.muli %select_n3A_137, %mul3A_139 : vector<1x8xi32>
    %broadcast_in_dim3A_141 = arith.constant 0 : i32
    %broadcast_in_dim3A_142 = vector.broadcast %broadcast_in_dim3A_141 : i32 to vector<1x1xi32>
    %slice3A_143 = vector.extract_strided_slice %mul3A_140 {offsets = [0, 0], sizes = [1, 7], strides = [1, 1]} : vector<1x8xi32> to vector<1x7xi32>
    %concatenate3A_144 = tpu.concatenate %broadcast_in_dim3A_142, %slice3A_143 in 1 : vector<1x1xi32>, vector<1x7xi32> -> vector<1x8xi32>
    %add3A_145 = arith.addi %mul3A_140, %concatenate3A_144 : vector<1x8xi32>
    %broadcast_in_dim3A_146 = arith.constant 0 : i32
    %broadcast_in_dim3A_147 = vector.broadcast %broadcast_in_dim3A_146 : i32 to vector<1x2xi32>
    %slice3A_148 = vector.extract_strided_slice %add3A_145 {offsets = [0, 0], sizes = [1, 6], strides = [1, 1]} : vector<1x8xi32> to vector<1x6xi32>
    %concatenate3A_149 = tpu.concatenate %broadcast_in_dim3A_147, %slice3A_148 in 1 : vector<1x2xi32>, vector<1x6xi32> -> vector<1x8xi32>
    %add3A_150 = arith.addi %add3A_145, %concatenate3A_149 : vector<1x8xi32>
    %broadcast_in_dim3A_151 = arith.constant 0 : i32
    %broadcast_in_dim3A_152 = vector.broadcast %broadcast_in_dim3A_151 : i32 to vector<1x4xi32>
    %slice3A_153 = vector.extract_strided_slice %add3A_150 {offsets = [0, 0], sizes = [1, 4], strides = [1, 1]} : vector<1x8xi32> to vector<1x4xi32>
    %concatenate3A_154 = tpu.concatenate %broadcast_in_dim3A_152, %slice3A_153 in 1 : vector<1x4xi32>, vector<1x4xi32> -> vector<1x8xi32>
    %add3A_155 = arith.addi %add3A_150, %concatenate3A_154 : vector<1x8xi32>
    %sub3A_156 = arith.subi %add3A_155, %mul3A_140 : vector<1x8xi32>
    %mul3A_157 = vector.broadcast %sub3A_156 : vector<1x8xi32> to vector<4096x8xi32>
    %mul3A_158 = arith.muli %mul3A_157, %concatenate3A_43 : vector<4096x8xi32>
    %reduce_sum3A_159 = arith.constant dense<0> : vector<4096xi32>
    %reduce_sum3A_160 = vector.multi_reduction <add>, %mul3A_158, %reduce_sum3A_159 [1] : vector<4096x8xi32> to vector<4096xi32>
    %broadcast_in_dim3A_161 = vector.shape_cast %reduce_sum3A_160 : vector<4096xi32> to vector<4096x1xi32>
    %add3A_162 = arith.addi %broadcast_in_dim3A_161, %broadcast_in_dim3A_106 : vector<4096x1xi32>
    %swap3A_163 = arith.constant 0 : index
    %swap3A_164 = arith.constant 0 : index
    %swap3A_165 = vector.load %arg2[%swap3A_163, %swap3A_164] : memref<4096x1xi32, #tpu.memory_space<vmem>>, vector<4096x1xi32>
    tpu.vector_store %arg2[%swap3A_163, %swap3A_164], %add3A_162 {strides = array<i32>} : memref<4096x1xi32, #tpu.memory_space<vmem>>, vector<4096x1xi32>,
    %iota3A_166 = tpu.iota {dimensions = array<i32: 0>} : vector<16x8xi32>
    %mul3A_167 = arith.constant 512 : i32
    %mul3A_168 = vector.broadcast %mul3A_167 : i32 to vector<16x8xi32>
    %mul3A_169 = arith.muli %iota3A_166, %mul3A_168 : vector<16x8xi32>
    %ge3A = vector.broadcast %add3A_155 : vector<1x8xi32> to vector<16x8xi32>
    %ge3A_170 = arith.cmpi sge, %mul3A_169, %ge3A : vector<16x8xi32>
    %convert_element_type3A_171 = arith.extui %ge3A_170 : vector<16x8xi1> to vector<16x8xi32>
    %reduce_sum3A_172 = arith.constant dense<0> : vector<16xi32>
    %reduce_sum3A_173 = vector.multi_reduction <add>, %convert_element_type3A_171, %reduce_sum3A_172 [1] : vector<16x8xi32> to vector<16xi32>
    %broadcast_in_dim3A_174 = vector.shape_cast %reduce_sum3A_173 : vector<16xi32> to vector<16x1xi32>
    %min3A = arith.constant 7 : i32
    %min3A_175 = vector.broadcast %min3A : i32 to vector<16x1xi32>
    %min3A_176 = arith.minsi %broadcast_in_dim3A_174, %min3A_175 : vector<16x1xi32>
    %swap3A_177 = arith.constant 0 : index
    %swap3A_178 = arith.constant 0 : index
    %swap3A_179 = vector.load %arg4[%swap3A_177, %swap3A_178] : memref<16x1xi32, #tpu.memory_space<vmem>>, vector<16x1xi32>
    tpu.vector_store %arg4[%swap3A_177, %swap3A_178], %min3A_176 {strides = array<i32>} : memref<16x1xi32, #tpu.memory_space<vmem>>, vector<16x1xi32>,
    %slice3A_180 = vector.extract_strided_slice %mul3A_169 {offsets = [0, 0], sizes = [16, 1], strides = [1, 1]} : vector<16x8xi32> to vector<16x1xi32>
    %slice3A_181 = vector.extract_strided_slice %add3A_155 {offsets = [0, 7], sizes = [1, 1], strides = [1, 1]} : vector<1x8xi32> to vector<1x1xi32>
    %squeeze3A = vector.extract %slice3A_181[0, 0] : i32 from vector<1x1xi32>
    %lt3A = vector.broadcast %squeeze3A : i32 to vector<16x1xi32>
    %lt3A_182 = arith.cmpi slt, %slice3A_180, %lt3A : vector<16x1xi32>
    %convert_element_type3A_183 = arith.extui %lt3A_182 : vector<16x1xi1> to vector<16x1xi32>
    %swap3A_184 = arith.constant 0 : index
    %swap3A_185 = arith.constant 0 : index
    %swap3A_186 = vector.load %arg5[%swap3A_184, %swap3A_185] : memref<16x1xi32, #tpu.memory_space<vmem>>, vector<16x1xi32>
    tpu.vector_store %arg5[%swap3A_184, %swap3A_185], %convert_element_type3A_183 {strides = array<i32>} : memref<16x1xi32, #tpu.memory_space<vmem>>, vector<16x1xi32>,
    return
  }
}

</mosaic_0001>

<sc_bundles>
// kernel: gather_offload_async_start
scs
__scs_entry_jumppad:
0x0: {  	(pc) =	sbr.rel $0x88, $3  }
0x1: {  	(tag) =	ssettag $0x0;
	lr =	simm.s32 $0x1  }
0x2: {  	[smem:$0x3F9C] =	sst lr;
	_ =	strace $0xD0000000  }
0x3: {  	_ = 	snop  }
0x4: {  	_ = 	snop  }
0x5: {  	_ = 	snop  }
0x6: {  	_ = 	snop  }
0x7: {  	_ = 	snop  }
__scs_overlays_trampoline_lowered:
0x8: {  	[smem:$0x3FAB] =	sst s0  }
0x9: {  	[smem:$0x3FAC] =	sst s1  }
0xa: {  	[smem:$0x3FAD] =	sst s2  }
0xb: {  	[smem:$0x3FAE] =	sst s3  }
0xc: {  	[smem:$0x3FAF] =	sst s4  }
0xd: {  	[smem:$0x3FB0] =	sst s5  }
0xe: {  	[smem:$0x3FB1] =	sst s6  }
0xf: {  	[smem:$0x3FB2] =	sst s7  }
0x10: {  	[smem:$0x3FB3] =	sst s8  }
0x11: {  	[smem:$0x3FB4] =	sst s9;
	s0 =	simm.s32 @!p0 $0x0  }
0x12: {  	s1 =	sld [smem:$0x3F9A];
	s0 =	simm.s32 @p0 $0x1  }
0x13: {  	[smem:$0x3FB5] =	sst s0;
	s0 =	simm.s32 @!p1 $0x0  }
0x14: {  	s2 =	sld [smem:$0x3F99];
	s0 =	simm.s32 @p1 $0x1  }
0x15: {  	[smem:$0x3FB6] =	sst s0;
	s0 =	simm.s32 @!p2 $0x0  }
0x16: {  	s3 =	sld [smem:$0x3FDB];
	s0 =	simm.s32 @p2 $0x1  }
0x17: {  	s4 =	simm.s32 $0x1BF5;
	[smem:$0x3FB8] =	sst s0  }
0x18: {  	s0 =	sld [smem:$0x3F9B];
	_ =	swait.ge [sflag:s4], $0x0  }
0x19: {  	s7 =	sld [smem:$0x3F9C]  }
0x1a: {  	s8 =	sadd.s32 $0xFFFFE003, lr  }
0x1b: {  	s9 =	sadd.s32 $0xFFFFFEF7, lr;
	s5 =	simm.s32 $0xFFFFFFFF;
	p2 =	slt.u32 s8, $0xFFFFF086  }
0x1c: {  	p1 =	slt.u32 s9, $0xF7A;
	s5 =	simm.s32 @!p2 $0x0  }
0x1d: {  	s5 =	simm.s32 @p1 $0x1;
	p0 =	seq.s32 s7, s2  }
0x1e: {  	s7 =	smul.u32 @!p0 $0xF7A, s2;
	p2 =	seq.s32 @!p0 s5, $0x0  }
0x1f: {  	s9 =	smul.u32 $0xF7A, s1;
	s8 =	simm.s32 @!p0 $0x1BF5;
	p2 =	por !p2, p0  }
0x20: {  	[sflag:s8] =	ssyncset.s32 @!p0 $0xFFFFF086;
	s6 =	sadd.s32 @!p0 s3, s7;
	s7 =	simm.s32 @!p0 $0x108  }
0x21: {  	s3 =	sadd.s32 s3, s9;
	s6 =	sadd.s32 @!p0 $0x88, s6;
	s7 =	simm.s32 @p2 $0x1082  }
0x22: {  	[simem:s7], [sflag:s8] =	dma.local @!p0 [hbm:s6], $0xF7A  }
0x23: {  	s9 =	sor.u32 $0xD0000000, s2;
	s6 =	simm.s32 $0x108;
	_ =	swait.ge @!p0 [sflag:s8], $0x0  }
0x24: {  	s3 =	sadd.s32 $0x88, s3;
	s6 =	simm.s32 @!p1 $0x1082;
	[sflag:s4] =	ssyncset.s32 $0xFFFFF086  }
0x25: {  	[simem:s6], [sflag:s4] =	dma.local [hbm:s3], $0xF7A  }
0x26: {  	[smem:$0x3F9C] =	sst s1;
	(tag) =	ssettag s2;
	_ =	strace s9  }
0x27: {  	s1 =	sld [smem:$0x3FAC]  }
0x28: {  	s2 =	sld [smem:$0x3FAD]  }
0x29: {  	s4 =	sld [smem:$0x3FAF]  }
0x2a: {  	p0 =	seq.s32 s5, $0x0;
	s5 =	sld [smem:$0x3FB0]  }
0x2b: {  	s6 =	sld [smem:$0x3FB1]  }
0x2c: {  	s7 =	sld [smem:$0x3FB2]  }
0x2d: {  	s3 =	simm.s32 $0x108;
	s8 =	sld [smem:$0x3FB3]  }
0x2e: {  	s3 =	simm.s32 @!p0 $0x1082;
	s9 =	sld [smem:$0x3FB4]  }
0x2f: {  	lr =	sadd.s32 s0, s3;
	s0 =	sld [smem:$0x3FAB]  }
0x30: {  	s3 =	sld [smem:$0x3FAE]  }
0x31: {  	[smem:$0x3FB7] =	sst s10  }
0x32: {  	s10 =	sld [smem:$0x3FB5];
	_ =	sdelay $0x3  }
0x33: {  	p0 =	seq.s32 s10, $0x1;
	s10 =	sld [smem:$0x3FB7];
	_ =	sdelay $0x3  }
0x34: {  	[smem:$0x3FB7] =	sst s10  }
0x35: {  	s10 =	sld [smem:$0x3FB6];
	_ =	sdelay $0x3  }
0x36: {  	p1 =	seq.s32 s10, $0x1;
	s10 =	sld [smem:$0x3FB7];
	_ =	sdelay $0x3  }
0x37: {  	[smem:$0x3FB7] =	sst s10  }
0x38: {  	s10 =	sld [smem:$0x3FB8]  }
0x39: {  	_ = 	snop;
	(pc) =	sbr.ind lr, $3  }
0x3a: {  	_ = 	snop  }
0x3b: {  	_ = 	snop  }
0x3c: {  	p2 =	seq.s32 s10, $0x1;
	s10 =	sld [smem:$0x3FB7]  }
0x3d: {  	_ =	shalt  }
0x3e: {  	_ =	shalt  }
0x3f: {  	_ =	shalt  }
0x40: {  	_ =	shalt  }
0x41: {  	_ =	shalt  }
0x42: {  	_ =	shalt  }
0x43: {  	_ =	shalt  }
0x44: {  	_ =	shalt  }
0x45: {  	_ =	shalt  }
0x46: {  	_ =	shalt  }
0x47: {  	_ =	shalt  }
0x48: {  	_ =	shalt  }
0x49: {  	_ =	shalt  }
0x4a: {  	_ =	shalt  }
0x4b: {  	_ =	shalt  }
0x4c: {  	_ =	shalt  }
0x4d: {  	_ =	shalt  }
0x4e: {  	_ =	shalt  }
0x4f: {  	_ =	shalt  }
0x50: {  	_ =	shalt  }
0x51: {  	_ =	shalt  }
0x52: {  	_ =	shalt  }
0x53: {  	_ =	shalt  }
0x54: {  	_ =	shalt  }
0x55: {  	_ =	shalt  }
0x56: {  	_ =	shalt  }
0x57: {  	_ =	shalt  }
0x58: {  	_ =	shalt  }
0x59: {  	_ =	shalt  }
0x5a: {  	_ =	shalt  }
0x5b: {  	_ =	shalt  }
0x5c: {  	_ =	shalt  }
0x5d: {  	_ =	shalt  }
0x5e: {  	_ =	shalt  }
0x5f: {  	_ =	shalt  }
0x60: {  	_ =	shalt  }
0x61: {  	_ =	shalt  }
0x62: {  	_ =	shalt  }
0x63: {  	_ =	shalt  }
0x64: {  	_ =	shalt  }
0x65: {  	_ =	shalt  }
0x66: {  	_ =	shalt  }
0x67: {  	_ =	shalt  }
0x68: {  	_ =	shalt  }
0x69: {  	_ =	shalt  }
0x6a: {  	_ =	shalt  }
0x6b: {  	_ =	shalt  }
0x6c: {  	_ =	shalt  }
0x6d: {  	_ =	shalt  }
0x6e: {  	_ =	shalt  }
0x6f: {  	_ =	shalt  }
0x70: {  	_ =	shalt  }
0x71: {  	_ =	shalt  }
0x72: {  	_ =	shalt  }
0x73: {  	_ =	shalt  }
0x74: {  	_ =	shalt  }
0x75: {  	_ =	shalt  }
0x76: {  	_ =	shalt  }
0x77: {  	_ =	shalt  }
0x78: {  	_ =	shalt  }
0x79: {  	_ =	shalt  }
0x7a: {  	_ =	shalt  }
0x7b: {  	_ =	shalt  }
0x7c: {  	_ =	shalt  }
0x7d: {  	_ =	shalt  }
0x7e: {  	_ =	shalt  }
0x7f: {  	_ =	shalt  }
0x80: {  	_ =	shalt  }
0x81: {  	_ =	shalt  }
0x82: {  	_ =	shalt  }
0x83: {  	_ =	shalt  }
0x84: {  	_ =	shalt  }
0x85: {  	_ =	shalt  }
0x86: {  	_ =	shalt  }
0x87: {  	_ =	shalt  }
.Lfunc_end0:
.L_simem_size_0:
called_computation_lowered:
.L_overlay_start_0:
0x88: {  	s2 =	sld [smem:$0x3FD9]  }
0x89: {  	s3 =	sld [smem:$0x3FFE];
	_ =	sdelay $0x1  }
0x8a: {  	s1 =	srdreg.scid  }
0x8b: {  	s0 =	sand.u32 $0x1, s1  }
0x8c: {  	s16 =	sshll.u32 s0, $0xA;
	s2 =	sadd.s32 s3, s2  }
0x8d: {  	s2 =	sadd.s32 s2, s16  }
0x8e: {  	[smem:$0x3FC3] =	sst s2  }
0x8f: {  	_ = 	snop  }
0x90: {  	(tm) =	ssettm $0x1  }
0x91: {  	s17 =	sld [smem:$0x3FFB];
	_ =	sdelay $0x3  }
0x92: {  	_ =	strace s17  }
0x93: {  	s2 =	sld [smem:$0x3FFC];
	_ =	sdelay $0x3  }
0x94: {  	_ =	strace s2  }
0x95: {  	s2 =	sld [smem:$0x3FFD];
	_ =	sdelay $0x3  }
0x96: {  	_ =	strace s2  }
0x97: {  	_ =	strace $0x8FFFFFFF  }
0x98: {  	s18 =	sld [smem:$0x3FDB];
	_ =	sdelay $0x1  }
0x99: {  	s19 =	simm.s32 $_scs_section_size  }
0x9a: {  	s4 =	simm.s32 $_size__tile_overlayer_lowered;
	s5 =	simm.s32 $_tile_overlayer_lowered  }
0x9b: {  	s22 =	simm.s32 $0x1BFF;
	s21 =	sshll.u32 s5, $0x1;
	s2 =	sadd.s32 s19, s18  }
0x9c: {  	s6 =	simm.s32 $0x0;
	s20 =	sshll.u32 s4, $0x1;
	s4 =	sadd.s32 s21, s2  }
0x9d: {  	[timem:s6], [sflag:s22] =	dma.local [hbm:s4], s20  }
0x9e: {  	_ =	swait.ge [sflag:s22], s20  }
0x9f: {  	s3 =	ssub.s32 $0x0, s20;
	[sflag:s22] =	ssyncset.done $0x0  }
0xa0: {  	[sflag:s22] =	ssyncadd.s32 s3;
	_ =	sdelay $0x1  }
0xa1: {  	s23 =	simm.s32 $0x1B8B  }
0xa2: {  	_ =	swait.ge [sflag:s23], $0x1  }
0xa3: {  	[sflag:s23] =	ssyncset.done $0x0  }
0xa4: {  	s25 =	simm.s32 $0x1B8E;
	s24 =	sld [smem:$0x3FFE];
	[sflag:s23] =	ssyncadd.s32 $0xFFFFFFFF  }
0xa5: {  	s26 =	simm.s32 $execute0_lowered;
	[smem:$0x3FD2] =	sst s25  }
0xa6: {  	s4 =	sshll.u32 s26, $0x1;
	_ =	strace $0x80000049;
	[dreg:$0x1] =	wrdreg $0xFFFFFFFF  }
0xa7: {  	s28 =	simm.s32 $_size_execute0_lowered;
	s2 =	sadd.s32 s2, s4;
	[dreg:$0x0] =	wrdreg $0x0  }
0xa8: {  	s4 =	sshll.u32 s28, $0x1;
	[dreg:$0x2] =	wrdreg s2  }
0xa9: {  	[dreg:$0x3] =	wrdreg s4  }
0xaa: {  	[dreg:$0x4] =	wrdreg $0xC0  }
0xab: {  	_ =	task [dreg:s6], $0x5FFFF  }
0xac: {  	[dreg:$0x1] =	wrdreg $0xFFFFFFFF  }
0xad: {  	[dreg:$0x0] =	wrdreg $0x60  }
0xae: {  	[dreg:$0x2] =	wrdreg s24  }
0xaf: {  	[dreg:$0x3] =	wrdreg $0x9  }
0xb0: {  	_ =	task.clear_ibuf [dreg:s6], $0x4FFFF;
	_ =	strace $0x90000049  }
0xb1: {  	s29 =	simm.s32 $0x9;
	_ =	strace $0x8000004B  }
0xb2: {  	_ =	swait.ge [sflag:s29], $0x1  }
0xb3: {  	[sflag:s29] =	ssyncadd.s32 $0xFFFFFFFF  }
0xb4: {  	_ =	strace $0x9000004B  }
0xb5: {  	_ =	sfence  }
0xb6: {  	s30 =	sld [smem:$0x0];
	_ =	sdelay $0x2  }
0xb7: {  	s31 =	sshll.u32 s1, $0xD;
	s1 =	sshrl.u32 s1, $0x2  }
0xb8: {  	s3 =	sand.u32 $0x4000, s31;
	s1 =	sadd.s32 s1, s30  }
0xb9: {  	s0 =	sor.u32 s3, s0;
	s1 =	sshll.u32 s1, $0x11  }
0xba: {  	s0 =	sor.u32 s1, s0  }
0xbb: {  	s0 =	sadd.s32 $0x8F2B, s0  }
0xbc: {  	[sflag:s0] =	ssyncadd.remote.s32 $0x1  }
0xbd: {  	_ =	sfence.sel $0xFFFF  }
0xbe: {  	[dreg:$0x0] =	wrdreg $0xFFFFFFFF;
	(pc) =	sbr.abs _section_cstart, $3  }
0xbf: {  	[dreg:$0x1] =	wrdreg $0xFFFFFFFF  }
0xc0: {  	_ =	task.clear_ibuf [dreg:s6], $0x2FFFF;
	_ =	strace $0x9FFFFFFF  }
0xc1: {  	(tm) =	ssettm $0x7FFFFFFF  }
tec
execute0_lowered:
.L_overlay_start_1:
0x0: {  	(tag) =	ssettag $0x1  }
0x1: {  	s2 =	rddreg [dreg:$0x0]  }
0x2: {  	s0 =	rddreg [dreg:$0x1]  }
0x3: {  	s1 =	srdreg.scid;
	_ =	strace $0x8000004A;
	s4 =	simm.s32 $0x1  }
0x4: {  	s9 =	simm.s32 $0x3;
	s11 =	simm.s32 $0x0;
	s5 =	sshll.u32 s1, $0x4  }
.Ltmp0:
0x5: {  	s1 =	stileid.u32;
	s5 =	sand.u32 $0x10, s5;
	(pc) =	sbr.rel .LBB2_1-.Ltmp0, $4  }
0x6: {  	p0 =	por $0x0, $0x0;
	s3 =	sadd.s32 $0x100800, s2;
	s6 =	sor.u32 s1, s5  }
0x7: {  	[sflag:s4] =	ssyncpa.u1 $0x0;
	s5 =	simm.s32 $0x2;
	s6 =	sshll.u32 s6, $0x7  }
0x8: {  	s7 =	sadd.s32 $0x100600, s2;
	[sflag:s5] =	ssyncpa.u1 $0x0;
	s8 =	sadd.s32 $0x80, s6  }
0x9: {  	vm0 =	vmmov $0xff;
	vm1 =	vcmask $0x3F20;
	[sflag:s9] =	ssyncpa.u1 $0x0;
	s10 =	smov.u32 s6;
	s9 =	simm.s32 $0x0  }
.LBB2_9:
0xa: {  	p1 =	slt.u32 s9, $0x2;
	s11 =	sadd.s32 $0x20, s10  }
0xb: {  	s13 =	smov.u32 s6;
	s9 =	sadd.s32 $0x1, s9;
	p2 =	slt.s32 s11, s8  }
0xc: {  	s13 =	smov.u32 @p2 s11;
	p2 =	sne.s32 s9, $0x6  }
.Ltmp1:
0xd: {  	_ = 	snop;
	(pc) =	sbr.rel @!p2 .LBB2_10-.Ltmp1, $4  }
0xe: {  	s12 =	simm.s32 @!p1 $0x3  }
0xf: {  	_ =	swait.ge @!p1 [sflag:s12], $0x8000  }
0x10: {  	p0 =	por !p0, !p0;
	[sflag:s12] =	ssyncset.done @!p1 $0x0  }
0x11: {  	s11 =	smov.u32 s10;
	s10 =	smov.u32 s13;
	[sflag:s12] =	ssyncadd.s32 @!p1 $0xFFFF8000  }
.LBB2_1:
0x12: {  	p1 =	sgt.u32 s9, $0x3  }
0x13: {  	s12 =	sxor.u32 @!p1 $0xFFFFFFFF, s9  }
0x14: {  	s13 =	sshrl.u32 @!p1 s10, $0x3;
	s12 =	sshll.u32 @!p1 s12, $0x5  }
0x15: {  	s14 =	sand.u32 @!p1 $0x7, s10;
	s13 =	sadd.s32 @!p1 s7, s13;
	s12 =	sand.u32 @!p1 $0x20, s12  }
0x16: {  	[tilespmem:s12], [sflag:$0x2] =	stream.linear.gather @!p1 [hbm4b:s13+s14], $0x20, $0x38;
	[tilespmem:$0x10040] =	vst v63  }
0x17: {  	p1 =	seq.s32 s9, $0x0  }
0x18: {  	p2 =	seq.s32 @!p1 s9, $0x5  }
0x19: {  	p1 =	por p1, p2  }
.Ltmp2:
0x1a: {  	_ = 	snop;
	(pc) =	sbr.rel @p1 .LBB2_9-.Ltmp2, $1  }
0x1b: {  	_ =	sdelay $0x3  }
0x1c: {  	s12 =	simm.s32 $0x1  }
0x1d: {  	_ =	swait.ge [sflag:s5], $0x20;
	s13 =	sand.u32 $0x1, s9;
	s12 =	simm.s32 @!p0 $0x0  }
0x1e: {  	s15 =	simm.s32 $0x0;
	p2 =	por $0x1, $0x1;
	s12 =	sshll.u32 s12, $0x11  }
0x1f: {  	[sflag:s5] =	ssyncset.done $0x0;
	s13 =	sshll.u32 s13, $0x5;
	s14 =	sshrl.u32 s12, $0x2  }
0x20: {  	[sflag:s5] =	ssyncadd.s32 $0xFFFFFFE0;
	s12 =	sor.u32 $0x40, s14;
	s14 =	sadd.s32 $0x40, s14  }
.LBB2_3:
0x21: {  	s16 =	sshll.u32 s15, $0x4  }
0x22: {  	s16 =	sand.u32 $0x3FFFFFF0, s16  }
0x23: {  	s16 =	sadd.s32 s16, s13  }
0x24: {  	v0 =	vld.msk [tilespmem:s16+$0x0 ss:$0x1], $0xffff;
	_ =	sdelay $0x4  }
0x25: {  	vm2 =	vgt.s32 v0, $0x0  }
0x26: {  	v0 =	vnsel vm2, $0x0, v0  }
0x27: {  	v0 =	vmin.u32 v0, $0x21FF  }
0x28: {  	v1 =	vshll.u32 v0, $0x7;
	v0 =	vshll.u32 v0, $0x4  }
0x29: {  	v1 =	vand.u32 $0x1FFC00, v1;
	v0 =	vand.u32 $0x70, v0  }
0x2a: {  	v0 =	vor.u32 v0, v1  }
0x2b: {  	s31 =	sshll.u32 s15, $0x10  }
0x2c: {  	s15 =	sshra.s32 s31, $0x2  }
0x2d: {  	s15 =	sadd.s32 s15, s14  }
0x2e: {  	s17 =	sadd.s32 $0x0, s15  }
0x2f: {  	[tilespmem:s17], [sflag:$0x1] =	stream.indirect_vreg.gather [hbm:s3], $0x80, v0, vm0, $0x38;
	[tilespmem:$0x10040] =	vst v63  }
0x30: {  	p1 =	por p2, p2;
	s16 =	simm.s32 $0x1000;
	v1 =	vadd.s32 $0x80, v0;
	s17 =	sadd.s32 $0x2000, s17  }
.LBB2_4:
0x31: {  	[tilespmem:s17], [sflag:$0x1] =	stream.indirect_vreg.gather [hbm:s3], $0x80, v0, vm1, $0x38;
	[tilespmem:$0x10040] =	vst v63  }
0x32: {  	v0 =	vmov v1;
	s17 =	smov.u32 s16;
	p2 =	sne.s32 s16, $0x7000  }
.Ltmp3:
0x33: {  	s16 =	sadd.s32 $0x1000, s16;
	(pc) =	sbr.rel @p2 .LBB2_4-.Ltmp3, $4  }
0x34: {  	s17 =	sshra.s32 s17, $0x2  }
0x35: {  	s17 =	sadd.s32 s17, s15  }
0x36: {  	[tilespmem:s17], [sflag:$0x1] =	stream.indirect_vreg.gather [hbm:s3], $0x80, v1, vm0, $0x38;
	[tilespmem:$0x10040] =	vst v63  }
0x37: {  	s17 =	sadd.s32 $0x2000, s17;
	v1 =	vadd.s32 $0x80, v1  }
0x38: {  	_ = 	snop  }
.Ltmp4:
0x39: {  	_ = 	snop;
	(pc) =	sbr.rel @p1 .LBB2_3-.Ltmp4, $3  }
0x3a: {  	_ =	sdelay $0x1  }
0x3b: {  	[tilespmem:s17], [sflag:$0x1] =	stream.indirect_vreg.gather [hbm:s3], $0x80, v0, vm1, $0x38;
	[tilespmem:$0x10040] =	vst v63  }
0x3c: {  	s15 =	simm.s32 $0x1;
	p2 =	por $0x0, $0x0  }
0x3d: {  	s13 =	sshll.u32 s11, $0x7  }
0x3e: {  	s31 =	sshll.u32 s11, $0x4;
	s13 =	sand.u32 $0xFFFFFC00, s13  }
0x3f: {  	_ =	swait.ge [sflag:s4], $0x8000;
	s11 =	sand.u32 $0x70, s31;
	s13 =	sadd.s32 s13, s2  }
0x40: {  	s14 =	sadd.s32 $0x2000, s12;
	[sflag:s4] =	ssyncset.done $0x0;
	s11 =	sadd.s32 s11, s13  }
0x41: {  	[sflag:s4] =	ssyncadd.s32 $0xFFFF8000;
	s13 =	simm.s32 $0x400;
	s15 =	sadd.s32 $0x0, s11  }
.LBB2_7:
0x42: {  	[hbm:s15] =	stream.linear.scatter [tilespmem:s12], [sflag:$0x3], $0x2000, $0x38;
	[tilespmem:$0x10040] =	vst v63  }
0x43: {  	s15 =	smov.u32 s13;
	s12 =	smov.u32 s14;
	p1 =	sne.s32 s13, $0xC00  }
.Ltmp5:
0x44: {  	s13 =	sadd.s32 $0x400, s13;
	(pc) =	sbr.rel @p1 .LBB2_7-.Ltmp5, $2  }
0x45: {  	_ =	sdelay $0x2  }
0x46: {  	s14 =	sadd.s32 $0x2000, s14;
	s15 =	sadd.s32 s15, s11  }
.Ltmp6:
0x47: {  	(pc) =	sbr.rel .LBB2_9-.Ltmp6, $2  }
0x48: {  	_ =	sdelay $0x2  }
0x49: {  	[hbm:s15] =	stream.linear.scatter [tilespmem:s12], [sflag:$0x3], $0x2000, $0x38;
	[tilespmem:$0x10040] =	vst v63  }
.LBB2_10:
0x4a: {  	_ =	sfence.sel $0x180000  }
0x4b: {  	s2 =	simm.s32 $0x2;
	[bflag:$0x0] =	sbarrier.arrive $0xFFFF  }
0x4c: {  	s30 =	simm.s32 $0x3;
	[sflag:s2] =	ssyncpa.u1 $0x1  }
0x4d: {  	s31 =	simm.s32 $0x1;
	[sflag:s30] =	ssyncpa.u1 $0x1  }
0x4e: {  	[sflag:s31] =	ssyncpa.u1 $0x1  }
0x4f: {  	p0 =	sne.s32 s1, $0x0;
	_ =	strace $0x9000004A  }
0x50: {  	s0 =	sadd.s32 @!p0 $0x100000, s0;
	[bflag:$0x2] =	sbarrier.arrive $0xFFFF  }
0x51: {  	[sflag:s0] =	ssyncadd.tile.s32 @!p0 $0x1;
	_ =	shalt  }
.Lfunc_end2:
_tile_overlayer_lowered:
.L_overlay_start_2:
0x52: {  	(tag) =	ssettag $0x2  }
0x53: {  	s0 =	rddreg [dreg:$0x0];
	s2 =	stileid.u32  }
0x54: {  	s1 =	rddreg [dreg:$0x1];
	p0 =	sne.s32 s2, $0x0  }
0x55: {  	s3 =	rddreg [dreg:$0x2];
	[bflag:$0x3] =	sbarrier.arrive $0xFFFF;
	s2 =	simm.s32 @!p0 $0x1C01  }
0x56: {  	[timem:s3], [sflag:s2] =	dma.local @!p0 [hbm:s0], s1  }
0x57: {  	s0 =	simm.s32 @!p0 $0x1  }
0x58: {  	_ =	swait.ge @!p0 [sflag:s0], s1  }
0x59: {  	s1 =	ssub.s32 @!p0 $0x0, s1;
	[sflag:s0] =	ssyncset.done @!p0 $0x0  }
0x5a: {  	[sflag:s0] =	ssyncadd.s32 @!p0 s1  }
0x5b: {  	[bflag:$0x3] =	sbarrier.arrive $0xFFFF  }
0x5c: {  	_ =	shalt  }

// kernel: kernel.5.cloned.1.call-start
scs
__scs_entry_jumppad:
0x0: {  	(pc) =	sbr.rel $0x88, $3  }
0x1: {  	(tag) =	ssettag $0x0;
	lr =	simm.s32 $0x1  }
0x2: {  	[smem:$0x3F9C] =	sst lr;
	_ =	strace $0xD0000000  }
0x3: {  	_ = 	snop  }
0x4: {  	_ = 	snop  }
0x5: {  	_ = 	snop  }
0x6: {  	_ = 	snop  }
0x7: {  	_ = 	snop  }
__scs_overlays_trampoline_lowered:
0x8: {  	[smem:$0x3FAB] =	sst s0  }
0x9: {  	[smem:$0x3FAC] =	sst s1  }
0xa: {  	[smem:$0x3FAD] =	sst s2  }
0xb: {  	[smem:$0x3FAE] =	sst s3  }
0xc: {  	[smem:$0x3FAF] =	sst s4  }
0xd: {  	[smem:$0x3FB0] =	sst s5  }
0xe: {  	[smem:$0x3FB1] =	sst s6  }
0xf: {  	[smem:$0x3FB2] =	sst s7  }
0x10: {  	[smem:$0x3FB3] =	sst s8  }
0x11: {  	[smem:$0x3FB4] =	sst s9;
	s0 =	simm.s32 @!p0 $0x0  }
0x12: {  	s1 =	sld [smem:$0x3F9A];
	s0 =	simm.s32 @p0 $0x1  }
0x13: {  	[smem:$0x3FB5] =	sst s0;
	s0 =	simm.s32 @!p1 $0x0  }
0x14: {  	s2 =	sld [smem:$0x3F99];
	s0 =	simm.s32 @p1 $0x1  }
0x15: {  	[smem:$0x3FB6] =	sst s0;
	s0 =	simm.s32 @!p2 $0x0  }
0x16: {  	s3 =	sld [smem:$0x3FDB];
	s0 =	simm.s32 @p2 $0x1  }
0x17: {  	s4 =	simm.s32 $0x1BF5;
	[smem:$0x3FB8] =	sst s0  }
0x18: {  	s0 =	sld [smem:$0x3F9B];
	_ =	swait.ge [sflag:s4], $0x0  }
0x19: {  	s7 =	sld [smem:$0x3F9C]  }
0x1a: {  	s8 =	sadd.s32 $0xFFFFE003, lr  }
0x1b: {  	s9 =	sadd.s32 $0xFFFFFEF7, lr;
	s5 =	simm.s32 $0xFFFFFFFF;
	p2 =	slt.u32 s8, $0xFFFFF086  }
0x1c: {  	p1 =	slt.u32 s9, $0xF7A;
	s5 =	simm.s32 @!p2 $0x0  }
0x1d: {  	s5 =	simm.s32 @p1 $0x1;
	p0 =	seq.s32 s7, s2  }
0x1e: {  	s7 =	smul.u32 @!p0 $0xF7A, s2;
	p2 =	seq.s32 @!p0 s5, $0x0  }
0x1f: {  	s9 =	smul.u32 $0xF7A, s1;
	s8 =	simm.s32 @!p0 $0x1BF5;
	p2 =	por !p2, p0  }
0x20: {  	[sflag:s8] =	ssyncset.s32 @!p0 $0xFFFFF086;
	s6 =	sadd.s32 @!p0 s3, s7;
	s7 =	simm.s32 @!p0 $0x108  }
0x21: {  	s3 =	sadd.s32 s3, s9;
	s6 =	sadd.s32 @!p0 $0x88, s6;
	s7 =	simm.s32 @p2 $0x1082  }
0x22: {  	[simem:s7], [sflag:s8] =	dma.local @!p0 [hbm:s6], $0xF7A  }
0x23: {  	s9 =	sor.u32 $0xD0000000, s2;
	s6 =	simm.s32 $0x108;
	_ =	swait.ge @!p0 [sflag:s8], $0x0  }
0x24: {  	s3 =	sadd.s32 $0x88, s3;
	s6 =	simm.s32 @!p1 $0x1082;
	[sflag:s4] =	ssyncset.s32 $0xFFFFF086  }
0x25: {  	[simem:s6], [sflag:s4] =	dma.local [hbm:s3], $0xF7A  }
0x26: {  	[smem:$0x3F9C] =	sst s1;
	(tag) =	ssettag s2;
	_ =	strace s9  }
0x27: {  	s1 =	sld [smem:$0x3FAC]  }
0x28: {  	s2 =	sld [smem:$0x3FAD]  }
0x29: {  	s4 =	sld [smem:$0x3FAF]  }
0x2a: {  	p0 =	seq.s32 s5, $0x0;
	s5 =	sld [smem:$0x3FB0]  }
0x2b: {  	s6 =	sld [smem:$0x3FB1]  }
0x2c: {  	s7 =	sld [smem:$0x3FB2]  }
0x2d: {  	s3 =	simm.s32 $0x108;
	s8 =	sld [smem:$0x3FB3]  }
0x2e: {  	s3 =	simm.s32 @!p0 $0x1082;
	s9 =	sld [smem:$0x3FB4]  }
0x2f: {  	lr =	sadd.s32 s0, s3;
	s0 =	sld [smem:$0x3FAB]  }
0x30: {  	s3 =	sld [smem:$0x3FAE]  }
0x31: {  	[smem:$0x3FB7] =	sst s10  }
0x32: {  	s10 =	sld [smem:$0x3FB5];
	_ =	sdelay $0x3  }
0x33: {  	p0 =	seq.s32 s10, $0x1;
	s10 =	sld [smem:$0x3FB7];
	_ =	sdelay $0x3  }
0x34: {  	[smem:$0x3FB7] =	sst s10  }
0x35: {  	s10 =	sld [smem:$0x3FB6];
	_ =	sdelay $0x3  }
0x36: {  	p1 =	seq.s32 s10, $0x1;
	s10 =	sld [smem:$0x3FB7];
	_ =	sdelay $0x3  }
0x37: {  	[smem:$0x3FB7] =	sst s10  }
0x38: {  	s10 =	sld [smem:$0x3FB8]  }
0x39: {  	_ = 	snop;
	(pc) =	sbr.ind lr, $3  }
0x3a: {  	_ = 	snop  }
0x3b: {  	_ = 	snop  }
0x3c: {  	p2 =	seq.s32 s10, $0x1;
	s10 =	sld [smem:$0x3FB7]  }
0x3d: {  	_ =	shalt  }
0x3e: {  	_ =	shalt  }
0x3f: {  	_ =	shalt  }
0x40: {  	_ =	shalt  }
0x41: {  	_ =	shalt  }
0x42: {  	_ =	shalt  }
0x43: {  	_ =	shalt  }
0x44: {  	_ =	shalt  }
0x45: {  	_ =	shalt  }
0x46: {  	_ =	shalt  }
0x47: {  	_ =	shalt  }
0x48: {  	_ =	shalt  }
0x49: {  	_ =	shalt  }
0x4a: {  	_ =	shalt  }
0x4b: {  	_ =	shalt  }
0x4c: {  	_ =	shalt  }
0x4d: {  	_ =	shalt  }
0x4e: {  	_ =	shalt  }
0x4f: {  	_ =	shalt  }
0x50: {  	_ =	shalt  }
0x51: {  	_ =	shalt  }
0x52: {  	_ =	shalt  }
0x53: {  	_ =	shalt  }
0x54: {  	_ =	shalt  }
0x55: {  	_ =	shalt  }
0x56: {  	_ =	shalt  }
0x57: {  	_ =	shalt  }
0x58: {  	_ =	shalt  }
0x59: {  	_ =	shalt  }
0x5a: {  	_ =	shalt  }
0x5b: {  	_ =	shalt  }
0x5c: {  	_ =	shalt  }
0x5d: {  	_ =	shalt  }
0x5e: {  	_ =	shalt  }
0x5f: {  	_ =	shalt  }
0x60: {  	_ =	shalt  }
0x61: {  	_ =	shalt  }
0x62: {  	_ =	shalt  }
0x63: {  	_ =	shalt  }
0x64: {  	_ =	shalt  }
0x65: {  	_ =	shalt  }
0x66: {  	_ =	shalt  }
0x67: {  	_ =	shalt  }
0x68: {  	_ =	shalt  }
0x69: {  	_ =	shalt  }
0x6a: {  	_ =	shalt  }
0x6b: {  	_ =	shalt  }
0x6c: {  	_ =	shalt  }
0x6d: {  	_ =	shalt  }
0x6e: {  	_ =	shalt  }
0x6f: {  	_ =	shalt  }
0x70: {  	_ =	shalt  }
0x71: {  	_ =	shalt  }
0x72: {  	_ =	shalt  }
0x73: {  	_ =	shalt  }
0x74: {  	_ =	shalt  }
0x75: {  	_ =	shalt  }
0x76: {  	_ =	shalt  }
0x77: {  	_ =	shalt  }
0x78: {  	_ =	shalt  }
0x79: {  	_ =	shalt  }
0x7a: {  	_ =	shalt  }
0x7b: {  	_ =	shalt  }
0x7c: {  	_ =	shalt  }
0x7d: {  	_ =	shalt  }
0x7e: {  	_ =	shalt  }
0x7f: {  	_ =	shalt  }
0x80: {  	_ =	shalt  }
0x81: {  	_ =	shalt  }
0x82: {  	_ =	shalt  }
0x83: {  	_ =	shalt  }
0x84: {  	_ =	shalt  }
0x85: {  	_ =	shalt  }
0x86: {  	_ =	shalt  }
0x87: {  	_ =	shalt  }
.Lfunc_end0:
.L_simem_size_0:
called_computation.1_lowered:
.L_overlay_start_0:
0x88: {  	s2 =	sld [smem:$0x3FD9]  }
0x89: {  	s3 =	sld [smem:$0x3FFE];
	_ =	sdelay $0x1  }
0x8a: {  	s1 =	srdreg.scid  }
0x8b: {  	s0 =	sand.u32 $0x1, s1  }
0x8c: {  	s17 =	sshll.u32 s0, $0xA;
	s2 =	sadd.s32 s3, s2  }
0x8d: {  	s2 =	sadd.s32 s2, s17  }
0x8e: {  	[smem:$0x3FC3] =	sst s2  }
0x8f: {  	_ = 	snop  }
0x90: {  	s2 =	sld [smem:$0x3FC9];
	(tm) =	ssettm $0x1  }
0x91: {  	s18 =	sld [smem:$0x3FFB];
	_ =	sdelay $0x3  }
0x92: {  	_ =	strace s18  }
0x93: {  	s3 =	sld [smem:$0x3FFC];
	_ =	sdelay $0x3  }
0x94: {  	_ =	strace s3  }
0x95: {  	s3 =	sld [smem:$0x3FFD];
	_ =	sdelay $0x3  }
0x96: {  	_ =	strace s3  }
0x97: {  	_ =	strace $0x8FFFFFFF  }
0x98: {  	s19 =	sld [smem:$0x3FDB];
	_ =	sdelay $0x1  }
0x99: {  	s4 =	simm.s32 $_scs_section_size  }
0x9a: {  	s5 =	simm.s32 $_size__tile_overlayer_lowered;
	s6 =	simm.s32 $_tile_overlayer_lowered  }
0x9b: {  	s22 =	simm.s32 $0x1BFF;
	s21 =	sshll.u32 s6, $0x1;
	s3 =	sadd.s32 s4, s19  }
0x9c: {  	s7 =	simm.s32 $0x0;
	s20 =	sshll.u32 s5, $0x1;
	s5 =	sadd.s32 s21, s3  }
0x9d: {  	[timem:s7], [sflag:s22] =	dma.local [hbm:s5], s20  }
0x9e: {  	_ =	swait.ge [sflag:s22], s20  }
0x9f: {  	s4 =	ssub.s32 $0x0, s20;
	[sflag:s22] =	ssyncset.done $0x0  }
0xa0: {  	[sflag:s22] =	ssyncadd.s32 s4;
	_ =	sdelay $0x1  }
0xa1: {  	s23 =	simm.s32 $0x1B8B  }
0xa2: {  	_ =	swait.ge [sflag:s23], $0x1  }
0xa3: {  	[sflag:s23] =	ssyncset.done $0x0  }
0xa4: {  	s25 =	simm.s32 $0x1B8E;
	s24 =	sld [smem:$0x3FFE];
	[sflag:s23] =	ssyncadd.s32 $0xFFFFFFFF  }
0xa5: {  	s26 =	simm.s32 $execute0_lowered;
	[smem:$0x3FD2] =	sst s25  }
0xa6: {  	s5 =	sshll.u32 s26, $0x1;
	_ =	strace $0x80000046;
	[dreg:$0x1] =	wrdreg $0xFFFFFFFF  }
0xa7: {  	s28 =	simm.s32 $_size_execute0_lowered;
	s3 =	sadd.s32 s3, s5;
	[dreg:$0x0] =	wrdreg $0x0  }
0xa8: {  	s5 =	sshll.u32 s28, $0x1;
	[dreg:$0x2] =	wrdreg s3  }
0xa9: {  	[dreg:$0x3] =	wrdreg s5  }
0xaa: {  	[dreg:$0x4] =	wrdreg $0xC0  }
0xab: {  	_ =	task [dreg:s7], $0x5FFFF  }
0xac: {  	[dreg:$0x1] =	wrdreg $0xFFFFFFFF  }
0xad: {  	[dreg:$0x0] =	wrdreg $0x60  }
0xae: {  	[dreg:$0x2] =	wrdreg s2  }
0xaf: {  	[dreg:$0x3] =	wrdreg s24  }
0xb0: {  	[dreg:$0x4] =	wrdreg $0x9  }
0xb1: {  	_ =	task.clear_ibuf [dreg:s7], $0x5FFFF;
	_ =	strace $0x90000046  }
0xb2: {  	s29 =	simm.s32 $0x9;
	_ =	strace $0x80000048  }
0xb3: {  	_ =	swait.ge [sflag:s29], $0x1  }
0xb4: {  	[sflag:s29] =	ssyncadd.s32 $0xFFFFFFFF  }
0xb5: {  	_ =	strace $0x90000048  }
0xb6: {  	_ =	sfence  }
0xb7: {  	s30 =	sld [smem:$0x0];
	_ =	sdelay $0x2  }
0xb8: {  	s31 =	sshll.u32 s1, $0xD;
	s1 =	sshrl.u32 s1, $0x2  }
0xb9: {  	s3 =	sand.u32 $0x4000, s31;
	s1 =	sadd.s32 s1, s30  }
0xba: {  	s0 =	sor.u32 s3, s0;
	s1 =	sshll.u32 s1, $0x11  }
0xbb: {  	s0 =	sor.u32 s1, s0  }
0xbc: {  	s0 =	sadd.s32 $0x8F2B, s0  }
0xbd: {  	[sflag:s0] =	ssyncadd.remote.s32 $0x1  }
0xbe: {  	_ =	sfence.sel $0xFFFF  }
0xbf: {  	[dreg:$0x0] =	wrdreg $0xFFFFFFFF;
	(pc) =	sbr.abs _section_cstart, $3  }
0xc0: {  	[dreg:$0x1] =	wrdreg $0xFFFFFFFF  }
0xc1: {  	_ =	task.clear_ibuf [dreg:s7], $0x2FFFF;
	_ =	strace $0x9FFFFFFF  }
0xc2: {  	(tm) =	ssettm $0x7FFFFFFF  }
0xc3: {  	_ =	shalt  }
tec
execute0_lowered:
.L_overlay_start_1:
0x0: {  	(tag) =	ssettag $0x1  }
0x1: {  	s0 =	rddreg [dreg:$0x0]  }
0x2: {  	s1 =	rddreg [dreg:$0x1]  }
0x3: {  	s3 =	srdreg.scid;
	s2 =	simm.s32 $0x0;
	s5 =	stileid.u32  }
0x4: {  	s18 =	simm.s32 $0x1;
	s20 =	simm.s32 $0x880;
	s28 =	simm.s32 $0x4080  }
0x5: {  	s29 =	simm.s32 $0x4880;
	s30 =	simm.s32 $0x5080;
	s31 =	simm.s32 $0x5880  }
0x6: {  	s10 =	simm.s32 $0x7080;
	s11 =	simm.s32 $0x7880;
	s12 =	simm.s32 $0x8080  }
0x7: {  	s13 =	simm.s32 $0x8880;
	s14 =	simm.s32 $0x9080;
	s15 =	simm.s32 $0x9880  }
0x8: {  	s16 =	simm.s32 $0xA080;
	s17 =	simm.s32 $0xA880;
	s4 =	sand.u32 $0x1, s3  }
0x9: {  	[smem:$0x7FF] =	sst s2;
	s21 =	sshll.u32 s5, $0x8;
	s3 =	sadd.s32 $0x200, s1  }
0xa: {  	s22 =	sshll.u32 s4, $0x7;
	_ =	strace $0x80000047;
	s4 =	ssub.s32 $0x2, s4  }
0xb: {  	s5 =	sor.u32 s22, s21;
	s8 =	sshrl.u32 s4, $0x1;
	s21 =	simm.s32 $0x1080  }
0xc: {  	s22 =	simm.s32 $0x1880;
	s6 =	sshrl.u32 s5, $0x3;
	s7 =	sshll.u32 s5, $0x7  }
0xd: {  	s24 =	ssub.s32 s4, s8;
	s5 =	sor.u32 $0x40, s5;
	s4 =	sadd.s32 $0x300, s1  }
0xe: {  	s6 =	sadd.s32 s1, s6;
	s7 =	sand.u32 $0x3C000, s7;
	s25 =	sshrl.u32 s5, $0x3  }
0xf: {  	s26 =	sshll.u32 s5, $0x7;
	s5 =	sadd.s32 $0x400, s1;
	[dreg:$0x3] =	wrdreg s6  }
0x10: {  	s23 =	sadd.s32 s0, s7;
	s9 =	sadd.s32 s1, s25;
	s8 =	sand.u32 $0x3E000, s26  }
0x11: {  	s6 =	sadd.s32 $0x500, s1;
	s7 =	smax.u32 s24, $0x1;
	s24 =	simm.s32 $0x2880  }
0x12: {  	v2 =	vlaneseq.u32;
	s25 =	simm.s32 $0x3080;
	s26 =	simm.s32 $0x3880;
	[dreg:$0x4] =	wrdreg s23  }
0x13: {  	vm0 =	vmmov $0xffff;
	v1 =	vshrl.u32 v2, $0x3;
	[dreg:$0x5] =	wrdreg s9;
	s0 =	sadd.s32 s0, s8;
	s8 =	simm.s32 $0x2  }
0x14: {  	v0 =	vand.u32 $0x7, v2;
	v2 =	vor.u32 $0x8, v2;
	v1 =	vmul.u32 $0x8, v1;
	s23 =	simm.s32 $0x2080;
	s9 =	simm.s32 $0xB080;
	[dreg:$0x6] =	wrdreg s0  }
.LBB2_1:
0x15: {  	s19 =	rddreg [dreg:$0x3]  }
0x16: {  	[tilespmem:s2], [sflag:$0x2] =	stream.linear.gather [hbm4b:s19+s2], $0x40, $0x38;
	[tilespmem:$0x10080] =	vst v63  }
0x17: {  	_ =	swait.ge [sflag:s8], $0x40  }
0x18: {  	[sflag:s8] =	ssyncset.done $0x0  }
0x19: {  	s0 =	simm.s32 $0x80;
	s1 =	rddreg [dreg:$0x4];
	[sflag:s8] =	ssyncadd.s32 $0xFFFFFFC0  }
0x1a: {  	[tilespmem:s0], [sflag:$0x2] =	stream.linear.gather [hbm4b:s1+s2], $0x10000, $0x38;
	[tilespmem:$0x10080] =	vst v63  }
0x1b: {  	_ =	swait.ge [sflag:s8], $0x10000  }
0x1c: {  	[sflag:s8] =	ssyncset.done $0x0  }
0x1d: {  	[sflag:s8] =	ssyncadd.s32 $0xFFFF0000  }
0x1e: {  	v3 =	vld [tilespmem:$0x0];
	_ =	sdelay $0x4  }
0x1f: {  	v4 =	vshll.u32 v3, $0x3  }
0x20: {  	v3 =	vand.u32 $0x7, v3;
	v4 =	vand.u32 $0xFFFFFFC0, v4  }
0x21: {  	v3 =	vor.u32 v3, v4  }
0x22: {  	v4 =	vperm.xlane v3, v0;
	_ =	sdelay $0x1  }
0x23: {  	v4 =	vadd.s32 v1, v4;
	_ =	sdelay $0x4  }
0x24: {  	[hbm4b:s3+s2] =	stream.indirect_vreg.scatter [tilespmem:s0], [sflag:$0x1], $0x80, v4, vm0, $0xb8;
	[tilespmem:$0x10080] =	vst v63  }
0x25: {  	v3 =	vperm.xlane v3, v2  }
0x26: {  	[hbm4b:s4+s2] =	stream.indirect_vreg.scatter [tilespmem:s20], [sflag:$0x1], $0x80, v4, vm0, $0xb8;
	[tilespmem:$0x10080] =	vst v63  }
0x27: {  	v3 =	vadd.s32 v1, v3  }
0x28: {  	[hbm4b:s5+s2] =	stream.indirect_vreg.scatter [tilespmem:s21], [sflag:$0x1], $0x80, v4, vm0, $0xb8;
	[tilespmem:$0x10080] =	vst v63  }
0x29: {  	_ = 	snop  }
0x2a: {  	[hbm4b:s6+s2] =	stream.indirect_vreg.scatter [tilespmem:s22], [sflag:$0x1], $0x80, v4, vm0, $0xb8;
	[tilespmem:$0x10080] =	vst v63  }
0x2b: {  	_ = 	snop  }
0x2c: {  	[hbm4b:s3+s2] =	stream.indirect_vreg.scatter [tilespmem:s23], [sflag:$0x1], $0x80, v3, vm0, $0xb8;
	[tilespmem:$0x10080] =	vst v63  }
0x2d: {  	_ = 	snop  }
0x2e: {  	[hbm4b:s4+s2] =	stream.indirect_vreg.scatter [tilespmem:s24], [sflag:$0x1], $0x80, v3, vm0, $0xb8;
	[tilespmem:$0x10080] =	vst v63  }
0x2f: {  	_ = 	snop  }
0x30: {  	[hbm4b:s5+s2] =	stream.indirect_vreg.scatter [tilespmem:s25], [sflag:$0x1], $0x80, v3, vm0, $0xb8;
	[tilespmem:$0x10080] =	vst v63  }
0x31: {  	_ = 	snop  }
0x32: {  	[hbm4b:s6+s2] =	stream.indirect_vreg.scatter [tilespmem:s26], [sflag:$0x1], $0x80, v3, vm0, $0xb8;
	[tilespmem:$0x10080] =	vst v63  }
0x33: {  	v3 =	vld [tilespmem:$0x10];
	_ =	sdelay $0x4  }
0x34: {  	v57 =	vshll.u32 v3, $0x3  }
0x35: {  	v3 =	vand.u32 $0x7, v3;
	v4 =	vand.u32 $0xFFFFFFC0, v57  }
0x36: {  	v3 =	vor.u32 v3, v4  }
0x37: {  	v4 =	vperm.xlane v3, v0;
	_ =	sdelay $0x1  }
0x38: {  	v4 =	vadd.s32 v1, v4;
	_ =	sdelay $0x4  }
0x39: {  	[hbm4b:s3+s2] =	stream.indirect_vreg.scatter [tilespmem:s28], [sflag:$0x1], $0x80, v4, vm0, $0xb8;
	[tilespmem:$0x10080] =	vst v63  }
0x3a: {  	v3 =	vperm.xlane v3, v2  }
0x3b: {  	[hbm4b:s4+s2] =	stream.indirect_vreg.scatter [tilespmem:s29], [sflag:$0x1], $0x80, v4, vm0, $0xb8;
	[tilespmem:$0x10080] =	vst v63  }
0x3c: {  	v3 =	vadd.s32 v1, v3  }
0x3d: {  	[hbm4b:s5+s2] =	stream.indirect_vreg.scatter [tilespmem:s30], [sflag:$0x1], $0x80, v4, vm0, $0xb8;
	[tilespmem:$0x10080] =	vst v63  }
0x3e: {  	_ = 	snop  }
0x3f: {  	[hbm4b:s6+s2] =	stream.indirect_vreg.scatter [tilespmem:s31], [sflag:$0x1], $0x80, v4, vm0, $0xb8;
	[tilespmem:$0x10080] =	vst v63  }
0x40: {  	s1 =	simm.s32 $0x6080  }
0x41: {  	[hbm4b:s3+s2] =	stream.indirect_vreg.scatter [tilespmem:s1], [sflag:$0x1], $0x80, v3, vm0, $0xb8;
	[tilespmem:$0x10080] =	vst v63  }
0x42: {  	s1 =	simm.s32 $0x6880  }
0x43: {  	[hbm4b:s4+s2] =	stream.indirect_vreg.scatter [tilespmem:s1], [sflag:$0x1], $0x80, v3, vm0, $0xb8;
	[tilespmem:$0x10080] =	vst v63  }
0x44: {  	_ = 	snop  }
0x45: {  	[hbm4b:s5+s2] =	stream.indirect_vreg.scatter [tilespmem:s10], [sflag:$0x1], $0x80, v3, vm0, $0xb8;
	[tilespmem:$0x10080] =	vst v63  }
0x46: {  	_ = 	snop  }
0x47: {  	[hbm4b:s6+s2] =	stream.indirect_vreg.scatter [tilespmem:s11], [sflag:$0x1], $0x80, v3, vm0, $0xb8;
	[tilespmem:$0x10080] =	vst v63  }
0x48: {  	v3 =	vld [tilespmem:$0x20];
	_ =	sdelay $0x4  }
0x49: {  	v58 =	vshll.u32 v3, $0x3  }
0x4a: {  	v3 =	vand.u32 $0x7, v3;
	v4 =	vand.u32 $0xFFFFFFC0, v58  }
0x4b: {  	v3 =	vor.u32 v3, v4  }
0x4c: {  	v4 =	vperm.xlane v3, v0;
	_ =	sdelay $0x1  }
0x4d: {  	v4 =	vadd.s32 v1, v4;
	_ =	sdelay $0x4  }
0x4e: {  	[hbm4b:s3+s2] =	stream.indirect_vreg.scatter [tilespmem:s12], [sflag:$0x1], $0x80, v4, vm0, $0xb8;
	[tilespmem:$0x10080] =	vst v63  }
0x4f: {  	v3 =	vperm.xlane v3, v2  }
0x50: {  	[hbm4b:s4+s2] =	stream.indirect_vreg.scatter [tilespmem:s13], [sflag:$0x1], $0x80, v4, vm0, $0xb8;
	[tilespmem:$0x10080] =	vst v63  }
0x51: {  	v3 =	vadd.s32 v1, v3  }
0x52: {  	[hbm4b:s5+s2] =	stream.indirect_vreg.scatter [tilespmem:s14], [sflag:$0x1], $0x80, v4, vm0, $0xb8;
	[tilespmem:$0x10080] =	vst v63  }
0x53: {  	_ = 	snop  }
0x54: {  	[hbm4b:s6+s2] =	stream.indirect_vreg.scatter [tilespmem:s15], [sflag:$0x1], $0x80, v4, vm0, $0xb8;
	[tilespmem:$0x10080] =	vst v63  }
0x55: {  	_ = 	snop  }
0x56: {  	[hbm4b:s3+s2] =	stream.indirect_vreg.scatter [tilespmem:s16], [sflag:$0x1], $0x80, v3, vm0, $0xb8;
	[tilespmem:$0x10080] =	vst v63  }
0x57: {  	_ = 	snop  }
0x58: {  	[hbm4b:s4+s2] =	stream.indirect_vreg.scatter [tilespmem:s17], [sflag:$0x1], $0x80, v3, vm0, $0xb8;
	[tilespmem:$0x10080] =	vst v63  }
0x59: {  	_ = 	snop  }
0x5a: {  	[hbm4b:s5+s2] =	stream.indirect_vreg.scatter [tilespmem:s9], [sflag:$0x1], $0x80, v3, vm0, $0xb8;
	[tilespmem:$0x10080] =	vst v63  }
0x5b: {  	s19 =	simm.s32 $0xB880  }
0x5c: {  	[hbm4b:s6+s2] =	stream.indirect_vreg.scatter [tilespmem:s19], [sflag:$0x1], $0x80, v3, vm0, $0xb8;
	[tilespmem:$0x10080] =	vst v63  }
0x5d: {  	v3 =	vld [tilespmem:$0x30];
	_ =	sdelay $0x4  }
0x5e: {  	v59 =	vshll.u32 v3, $0x3  }
0x5f: {  	v3 =	vand.u32 $0x7, v3;
	v4 =	vand.u32 $0xFFFFFFC0, v59  }
0x60: {  	v3 =	vor.u32 v3, v4  }
0x61: {  	v4 =	vperm.xlane v3, v0;
	_ =	sdelay $0x1  }
0x62: {  	v4 =	vadd.s32 v1, v4;
	_ =	sdelay $0x3  }
0x63: {  	s19 =	simm.s32 $0xC080  }
0x64: {  	[hbm4b:s3+s2] =	stream.indirect_vreg.scatter [tilespmem:s19], [sflag:$0x1], $0x80, v4, vm0, $0xb8;
	[tilespmem:$0x10080] =	vst v63  }
0x65: {  	v3 =	vperm.xlane v3, v2;
	s19 =	simm.s32 $0xC880  }
0x66: {  	[hbm4b:s4+s2] =	stream.indirect_vreg.scatter [tilespmem:s19], [sflag:$0x1], $0x80, v4, vm0, $0xb8;
	[tilespmem:$0x10080] =	vst v63  }
0x67: {  	v3 =	vadd.s32 v1, v3;
	s19 =	simm.s32 $0xD080  }
0x68: {  	[hbm4b:s5+s2] =	stream.indirect_vreg.scatter [tilespmem:s19], [sflag:$0x1], $0x80, v4, vm0, $0xb8;
	[tilespmem:$0x10080] =	vst v63  }
0x69: {  	s19 =	simm.s32 $0xD880  }
0x6a: {  	[hbm4b:s6+s2] =	stream.indirect_vreg.scatter [tilespmem:s19], [sflag:$0x1], $0x80, v4, vm0, $0xb8;
	[tilespmem:$0x10080] =	vst v63  }
0x6b: {  	s19 =	simm.s32 $0xE080  }
0x6c: {  	[hbm4b:s3+s2] =	stream.indirect_vreg.scatter [tilespmem:s19], [sflag:$0x1], $0x80, v3, vm0, $0xb8;
	[tilespmem:$0x10080] =	vst v63  }
0x6d: {  	s19 =	simm.s32 $0xE880  }
0x6e: {  	[hbm4b:s4+s2] =	stream.indirect_vreg.scatter [tilespmem:s19], [sflag:$0x1], $0x80, v3, vm0, $0xb8;
	[tilespmem:$0x10080] =	vst v63  }
0x6f: {  	s19 =	simm.s32 $0xF080  }
0x70: {  	[hbm4b:s5+s2] =	stream.indirect_vreg.scatter [tilespmem:s19], [sflag:$0x1], $0x80, v3, vm0, $0xb8;
	[tilespmem:$0x10080] =	vst v63  }
0x71: {  	s19 =	simm.s32 $0xF880  }
0x72: {  	[hbm4b:s6+s2] =	stream.indirect_vreg.scatter [tilespmem:s19], [sflag:$0x1], $0x80, v3, vm0, $0xb8;
	[tilespmem:$0x10080] =	vst v63  }
0x73: {  	_ =	swait.ge [sflag:s18], $0x10000  }
0x74: {  	[sflag:s18] =	ssyncset.done $0x0  }
0x75: {  	s19 =	rddreg [dreg:$0x5];
	[sflag:s18] =	ssyncadd.s32 $0xFFFF0000  }
0x76: {  	[tilespmem:s2], [sflag:$0x2] =	stream.linear.gather [hbm4b:s19+s2], $0x40, $0x38;
	[tilespmem:$0x10080] =	vst v63  }
0x77: {  	_ =	swait.ge [sflag:s8], $0x40  }
0x78: {  	[sflag:s8] =	ssyncset.done $0x0  }
0x79: {  	s19 =	rddreg [dreg:$0x6];
	[sflag:s8] =	ssyncadd.s32 $0xFFFFFFC0  }
0x7a: {  	[tilespmem:s0], [sflag:$0x2] =	stream.linear.gather [hbm4b:s19+s2], $0x10000, $0x38;
	[tilespmem:$0x10080] =	vst v63  }
0x7b: {  	_ =	swait.ge [sflag:s8], $0x10000  }
0x7c: {  	[sflag:s8] =	ssyncset.done $0x0  }
0x7d: {  	[sflag:s8] =	ssyncadd.s32 $0xFFFF0000  }
0x7e: {  	v3 =	vld [tilespmem:$0x0];
	_ =	sdelay $0x4  }
0x7f: {  	v60 =	vshll.u32 v3, $0x3  }
0x80: {  	v3 =	vand.u32 $0x7, v3;
	v4 =	vand.u32 $0xFFFFFFC0, v60  }
0x81: {  	v3 =	vor.u32 v3, v4  }
0x82: {  	v4 =	vperm.xlane v3, v0;
	_ =	sdelay $0x1  }
0x83: {  	v4 =	vadd.s32 v1, v4;
	_ =	sdelay $0x4  }
0x84: {  	[hbm4b:s3+s2] =	stream.indirect_vreg.scatter [tilespmem:s0], [sflag:$0x1], $0x80, v4, vm0, $0xb8;
	[tilespmem:$0x10080] =	vst v63  }
0x85: {  	v3 =	vperm.xlane v3, v2  }
0x86: {  	[hbm4b:s4+s2] =	stream.indirect_vreg.scatter [tilespmem:s20], [sflag:$0x1], $0x80, v4, vm0, $0xb8;
	[tilespmem:$0x10080] =	vst v63  }
0x87: {  	v3 =	vadd.s32 v1, v3  }
0x88: {  	[hbm4b:s5+s2] =	stream.indirect_vreg.scatter [tilespmem:s21], [sflag:$0x1], $0x80, v4, vm0, $0xb8;
	[tilespmem:$0x10080] =	vst v63  }
0x89: {  	_ = 	snop  }
0x8a: {  	[hbm4b:s6+s2] =	stream.indirect_vreg.scatter [tilespmem:s22], [sflag:$0x1], $0x80, v4, vm0, $0xb8;
	[tilespmem:$0x10080] =	vst v63  }
0x8b: {  	_ = 	snop  }
0x8c: {  	[hbm4b:s3+s2] =	stream.indirect_vreg.scatter [tilespmem:s23], [sflag:$0x1], $0x80, v3, vm0, $0xb8;
	[tilespmem:$0x10080] =	vst v63  }
0x8d: {  	_ = 	snop  }
0x8e: {  	[hbm4b:s4+s2] =	stream.indirect_vreg.scatter [tilespmem:s24], [sflag:$0x1], $0x80, v3, vm0, $0xb8;
	[tilespmem:$0x10080] =	vst v63  }
0x8f: {  	_ = 	snop  }
0x90: {  	[hbm4b:s5+s2] =	stream.indirect_vreg.scatter [tilespmem:s25], [sflag:$0x1], $0x80, v3, vm0, $0xb8;
	[tilespmem:$0x10080] =	vst v63  }
0x91: {  	_ = 	snop  }
0x92: {  	[hbm4b:s6+s2] =	stream.indirect_vreg.scatter [tilespmem:s26], [sflag:$0x1], $0x80, v3, vm0, $0xb8;
	[tilespmem:$0x10080] =	vst v63  }
0x93: {  	v3 =	vld [tilespmem:$0x10];
	_ =	sdelay $0x4  }
0x94: {  	v61 =	vshll.u32 v3, $0x3  }
0x95: {  	v3 =	vand.u32 $0x7, v3;
	v4 =	vand.u32 $0xFFFFFFC0, v61  }
0x96: {  	v3 =	vor.u32 v3, v4  }
0x97: {  	v4 =	vperm.xlane v3, v0;
	_ =	sdelay $0x1  }
0x98: {  	v4 =	vadd.s32 v1, v4;
	_ =	sdelay $0x4  }
0x99: {  	[hbm4b:s3+s2] =	stream.indirect_vreg.scatter [tilespmem:s28], [sflag:$0x1], $0x80, v4, vm0, $0xb8;
	[tilespmem:$0x10080] =	vst v63  }
0x9a: {  	v3 =	vperm.xlane v3, v2  }
0x9b: {  	[hbm4b:s4+s2] =	stream.indirect_vreg.scatter [tilespmem:s29], [sflag:$0x1], $0x80, v4, vm0, $0xb8;
	[tilespmem:$0x10080] =	vst v63  }
0x9c: {  	v3 =	vadd.s32 v1, v3  }
0x9d: {  	[hbm4b:s5+s2] =	stream.indirect_vreg.scatter [tilespmem:s30], [sflag:$0x1], $0x80, v4, vm0, $0xb8;
	[tilespmem:$0x10080] =	vst v63  }
0x9e: {  	_ = 	snop  }
0x9f: {  	[hbm4b:s6+s2] =	stream.indirect_vreg.scatter [tilespmem:s31], [sflag:$0x1], $0x80, v4, vm0, $0xb8;
	[tilespmem:$0x10080] =	vst v63  }
0xa0: {  	s19 =	simm.s32 $0x6080  }
0xa1: {  	[hbm4b:s3+s2] =	stream.indirect_vreg.scatter [tilespmem:s19], [sflag:$0x1], $0x80, v3, vm0, $0xb8;
	[tilespmem:$0x10080] =	vst v63  }
0xa2: {  	_ = 	snop  }
0xa3: {  	[hbm4b:s4+s2] =	stream.indirect_vreg.scatter [tilespmem:s1], [sflag:$0x1], $0x80, v3, vm0, $0xb8;
	[tilespmem:$0x10080] =	vst v63  }
0xa4: {  	_ = 	snop  }
0xa5: {  	[hbm4b:s5+s2] =	stream.indirect_vreg.scatter [tilespmem:s10], [sflag:$0x1], $0x80, v3, vm0, $0xb8;
	[tilespmem:$0x10080] =	vst v63  }
0xa6: {  	_ = 	snop  }
0xa7: {  	[hbm4b:s6+s2] =	stream.indirect_vreg.scatter [tilespmem:s11], [sflag:$0x1], $0x80, v3, vm0, $0xb8;
	[tilespmem:$0x10080] =	vst v63  }
0xa8: {  	v3 =	vld [tilespmem:$0x20];
	_ =	sdelay $0x4  }
0xa9: {  	v62 =	vshll.u32 v3, $0x3  }
0xaa: {  	v3 =	vand.u32 $0x7, v3;
	v4 =	vand.u32 $0xFFFFFFC0, v62  }
0xab: {  	v3 =	vor.u32 v3, v4  }
0xac: {  	v4 =	vperm.xlane v3, v0;
	_ =	sdelay $0x1  }
0xad: {  	v4 =	vadd.s32 v1, v4;
	_ =	sdelay $0x4  }
0xae: {  	[hbm4b:s3+s2] =	stream.indirect_vreg.scatter [tilespmem:s12], [sflag:$0x1], $0x80, v4, vm0, $0xb8;
	[tilespmem:$0x10080] =	vst v63  }
0xaf: {  	v3 =	vperm.xlane v3, v2  }
0xb0: {  	[hbm4b:s4+s2] =	stream.indirect_vreg.scatter [tilespmem:s13], [sflag:$0x1], $0x80, v4, vm0, $0xb8;
	[tilespmem:$0x10080] =	vst v63  }
0xb1: {  	v3 =	vadd.s32 v1, v3  }
0xb2: {  	[hbm4b:s5+s2] =	stream.indirect_vreg.scatter [tilespmem:s14], [sflag:$0x1], $0x80, v4, vm0, $0xb8;
	[tilespmem:$0x10080] =	vst v63  }
0xb3: {  	_ = 	snop  }
0xb4: {  	[hbm4b:s6+s2] =	stream.indirect_vreg.scatter [tilespmem:s15], [sflag:$0x1], $0x80, v4, vm0, $0xb8;
	[tilespmem:$0x10080] =	vst v63  }
0xb5: {  	_ = 	snop  }
0xb6: {  	[hbm4b:s3+s2] =	stream.indirect_vreg.scatter [tilespmem:s16], [sflag:$0x1], $0x80, v3, vm0, $0xb8;
	[tilespmem:$0x10080] =	vst v63  }
0xb7: {  	_ = 	snop  }
0xb8: {  	[hbm4b:s4+s2] =	stream.indirect_vreg.scatter [tilespmem:s17], [sflag:$0x1], $0x80, v3, vm0, $0xb8;
	[tilespmem:$0x10080] =	vst v63  }
0xb9: {  	_ = 	snop  }
0xba: {  	[hbm4b:s5+s2] =	stream.indirect_vreg.scatter [tilespmem:s9], [sflag:$0x1], $0x80, v3, vm0, $0xb8;
	[tilespmem:$0x10080] =	vst v63  }
0xbb: {  	s19 =	simm.s32 $0xB880  }
0xbc: {  	[hbm4b:s6+s2] =	stream.indirect_vreg.scatter [tilespmem:s19], [sflag:$0x1], $0x80, v3, vm0, $0xb8;
	[tilespmem:$0x10080] =	vst v63  }
0xbd: {  	v3 =	vld [tilespmem:$0x30];
	_ =	sdelay $0x4  }
0xbe: {  	v63 =	vshll.u32 v3, $0x3  }
0xbf: {  	v3 =	vand.u32 $0x7, v3;
	v4 =	vand.u32 $0xFFFFFFC0, v63  }
0xc0: {  	v3 =	vor.u32 v3, v4  }
0xc1: {  	v4 =	vperm.xlane v3, v0;
	_ =	sdelay $0x1  }
0xc2: {  	v4 =	vadd.s32 v1, v4;
	_ =	sdelay $0x3  }
0xc3: {  	s1 =	simm.s32 $0xC080  }
0xc4: {  	[hbm4b:s3+s2] =	stream.indirect_vreg.scatter [tilespmem:s1], [sflag:$0x1], $0x80, v4, vm0, $0xb8;
	[tilespmem:$0x10080] =	vst v63  }
0xc5: {  	s19 =	simm.s32 $0xC880;
	v3 =	vperm.xlane v3, v2  }
0xc6: {  	[hbm4b:s4+s2] =	stream.indirect_vreg.scatter [tilespmem:s19], [sflag:$0x1], $0x80, v4, vm0, $0xb8;
	[tilespmem:$0x10080] =	vst v63  }
0xc7: {  	v3 =	vadd.s32 v1, v3;
	s1 =	simm.s32 $0xD080  }
0xc8: {  	[hbm4b:s5+s2] =	stream.indirect_vreg.scatter [tilespmem:s1], [sflag:$0x1], $0x80, v4, vm0, $0xb8;
	[tilespmem:$0x10080] =	vst v63  }
0xc9: {  	s19 =	simm.s32 $0xD880  }
0xca: {  	[hbm4b:s6+s2] =	stream.indirect_vreg.scatter [tilespmem:s19], [sflag:$0x1], $0x80, v4, vm0, $0xb8;
	[tilespmem:$0x10080] =	vst v63  }
0xcb: {  	s1 =	simm.s32 $0xE080  }
0xcc: {  	[hbm4b:s3+s2] =	stream.indirect_vreg.scatter [tilespmem:s1], [sflag:$0x1], $0x80, v3, vm0, $0xb8;
	[tilespmem:$0x10080] =	vst v63  }
0xcd: {  	s19 =	simm.s32 $0xE880  }
0xce: {  	[hbm4b:s4+s2] =	stream.indirect_vreg.scatter [tilespmem:s19], [sflag:$0x1], $0x80, v3, vm0, $0xb8;
	[tilespmem:$0x10080] =	vst v63  }
0xcf: {  	p0 =	sne.s32 s7, $0x1;
	s1 =	simm.s32 $0xF080  }
0xd0: {  	[hbm4b:s5+s2] =	stream.indirect_vreg.scatter [tilespmem:s1], [sflag:$0x1], $0x80, v3, vm0, $0xb8;
	[tilespmem:$0x10080] =	vst v63  }
.Ltmp0:
0xd1: {  	s19 =	simm.s32 $0xF880;
	(pc) =	sbr.rel @p0 .LBB2_1-.Ltmp0, $4  }
0xd2: {  	[hbm4b:s6+s2] =	stream.indirect_vreg.scatter [tilespmem:s19], [sflag:$0x1], $0x80, v3, vm0, $0xb8;
	[tilespmem:$0x10080] =	vst v63  }
0xd3: {  	_ =	swait.ge [sflag:s18], $0x10000  }
0xd4: {  	[sflag:s18] =	ssyncset.done $0x0  }
0xd5: {  	s7 =	sadd.s32 $0xFFFFFFFF, s7;
	[sflag:s18] =	ssyncadd.s32 $0xFFFF0000  }
0xd6: {  	_ =	sfence.sel $0x180000  }
0xd7: {  	[bflag:$0x0] =	sbarrier.arrive $0xFFFF  }
0xd8: {  	_ =	strace $0x90000047  }
0xd9: {  	s0 =	stileid.u32;
	[bflag:$0x2] =	sbarrier.arrive $0xFFFF  }
0xda: {  	p0 =	sne.s32 s0, $0x0;
	s0 =	rddreg [dreg:$0x2]  }
0xdb: {  	s0 =	sadd.s32 @!p0 $0x100000, s0  }
0xdc: {  	[sflag:s0] =	ssyncadd.tile.s32 @!p0 $0x1;
	_ =	shalt  }
.Lfunc_end2:
_tile_overlayer_lowered:
.L_overlay_start_2:
0xdd: {  	(tag) =	ssettag $0x2  }
0xde: {  	s0 =	rddreg [dreg:$0x0];
	s2 =	stileid.u32  }
0xdf: {  	s1 =	rddreg [dreg:$0x1];
	p0 =	sne.s32 s2, $0x0  }
0xe0: {  	s3 =	rddreg [dreg:$0x2];
	[bflag:$0x3] =	sbarrier.arrive $0xFFFF;
	s2 =	simm.s32 @!p0 $0x1C02  }
0xe1: {  	[timem:s3], [sflag:s2] =	dma.local @!p0 [hbm:s0], s1  }
0xe2: {  	s0 =	simm.s32 @!p0 $0x2  }
0xe3: {  	_ =	swait.ge @!p0 [sflag:s0], s1  }
0xe4: {  	s1 =	ssub.s32 @!p0 $0x0, s1;
	[sflag:s0] =	ssyncset.done @!p0 $0x0  }
0xe5: {  	[sflag:s0] =	ssyncadd.s32 @!p0 s1  }
0xe6: {  	[bflag:$0x3] =	sbarrier.arrive $0xFFFF  }
0xe7: {  	_ =	shalt  }

</sc_bundles>
